<compile_context>
chip_gen: v7x
topology: tpu7x:2x2x1
jax: 0.10.2.dev20260603
libtpu: 0.0.44.dev20260713+nightly
codegen_flags: <defaults>
</compile_context>

<pallas_src>
import functools

import jax
import jax.numpy as jnp
from jax import lax
from jax.experimental import pallas as pl
from jax.experimental.pallas import tpu as pltpu
from jax.experimental.pallas import tpu_sc as plsc

N = 900
NP = 1024
D = 115
E = 80100
RANG = 10
LANES = 128
NC, NS = 2, 16
NTILES = NC * NS
RPT = 24
EP = NTILES * RPT * LANES
ROWS = EP // LANES
NAP = NP * NP
ZCH = NAP // NS
G = 10
GN = 90
K = 10
TEND = 0.1
DLIN = 2 * D + 1


EB = 8192
OB = EB // LANES
PSTEPS = ROWS // OB


def _prep_body(ea_ref, src_ref, dst_ref, w_ref, flat_ref):
    g = pl.program_id(0)
    s = jnp.sum(ea_ref[...], axis=1, keepdims=True) * (1.0 / RANG)
    w = s.reshape(OB, LANES)
    ri = lax.broadcasted_iota(jnp.int32, (OB, LANES), 0)
    ci = lax.broadcasted_iota(jnp.int32, (OB, LANES), 1)
    e = (g * OB + ri) * LANES + ci
    w_ref[...] = jnp.where(e < E, w, 0.0)
    flat_ref[...] = dst_ref[...] * NP + src_ref[...]


_prep = pl.pallas_call(
    _prep_body,
    grid=(PSTEPS,),
    in_specs=[
        pl.BlockSpec((EB, RANG), lambda g: (jnp.minimum(g, (E - 1) // EB), 0)),
        pl.BlockSpec((OB, LANES), lambda g: (g, 0)),
        pl.BlockSpec((OB, LANES), lambda g: (g, 0)),
    ],
    out_specs=(
        pl.BlockSpec((OB, LANES), lambda g: (g, 0)),
        pl.BlockSpec((OB, LANES), lambda g: (g, 0)),
    ),
    out_shape=(jax.ShapeDtypeStruct((ROWS, LANES), jnp.float32),
               jax.ShapeDtypeStruct((ROWS, LANES), jnp.int32)),
)


def _sc_body(w_hbm, flat_hbm, zeros_hbm, out_hbm, idx_v, val_v, a_sh,
             zsem, ssem):
    cid = lax.axis_index("c")
    sid = lax.axis_index("s")
    t = cid * NS + sid
    z0 = sid * ZCH
    zcp = pltpu.async_copy(zeros_hbm.at[pl.ds(z0, ZCH)],
                           a_sh.at[pl.ds(z0, ZCH)], zsem)
    icp = pltpu.async_copy(flat_hbm.at[pl.ds(t * RPT, RPT)], idx_v, ssem)
    wcp = pltpu.async_copy(w_hbm.at[pl.ds(t * RPT, RPT)], val_v, ssem)
    icp.wait()
    wcp.wait()
    zcp.wait()
    plsc.subcore_barrier()
    for j in range(RPT):
        pltpu.sync_copy(val_v.at[j], a_sh.at[idx_v.at[j]], add=True)
    plsc.subcore_barrier()
    pltpu.sync_copy(a_sh.at[pl.ds(z0, ZCH)],
                    out_hbm.at[pl.ds(cid * NAP + z0, ZCH)])


@functools.cache
def _sc_build():
    return functools.partial(
        pl.kernel,
        mesh=plsc.VectorSubcoreMesh(core_axis_name="c", subcore_axis_name="s"),
        out_type=jax.ShapeDtypeStruct((NC * NAP,), jnp.float32),
        scratch_types=[
            pltpu.VMEM((RPT, LANES), jnp.int32),
            pltpu.VMEM((RPT, LANES), jnp.float32),
            pltpu.VMEM_SHARED((NAP,), jnp.float32),
            pltpu.SemaphoreType.DMA,
            pltpu.SemaphoreType.DMA,
        ],
    )(_sc_body)


def _main_body(ap_ref, x_ref, w1_ref, w2_ref, b1_ref, b2_ref,
               g1_ref, be1_ref, g2_ref, be2_ref, p_ref, wlin_ref, blin_ref,
               wclf_ref, bclf_ref, out_ref, perm_ref):
    A = ap_ref[0:NP, :] + ap_ref[NP:2 * NP, :]
    ri = lax.broadcasted_iota(jnp.int32, (NP, 1), 0)
    rmask = ri < N

    xp = jnp.where(rmask, jnp.pad(x_ref[...], ((0, NP - N), (0, 0))), 0.0)

    def conv_bn(hp, Wr, br, gr, ber):
        agg = jnp.dot(A, hp, preferred_element_type=jnp.float32,
                      precision=lax.Precision.HIGHEST)
        t = jnp.maximum(jnp.dot(hp + agg, Wr) + br, 0.0)
        t = jnp.where(rmask, t, 0.0)
        mu = jnp.sum(t, axis=0, keepdims=True) / N
        dev = t - mu
        var = jnp.sum(jnp.where(rmask, dev * dev, 0.0), axis=0,
                      keepdims=True) / N
        y = gr * dev / jnp.sqrt(var + 1e-5) + ber
        return jnp.where(rmask, y, 0.0)

    h1 = conv_bn(xp, w1_ref[...], b1_ref[...], g1_ref[...], be1_ref[...])
    h2 = conv_bn(h1, w2_ref[...], b2_ref[...], g2_ref[...], be2_ref[...])

    pv = p_ref[...]
    pn = jnp.sqrt(jnp.sum(pv * pv)) + 1e-12
    sT = lax.dot_general(pv, h2, (((1,), (1,)), ((), ())),
                         preferred_element_type=jnp.float32) / pn

    S = jnp.broadcast_to(sT, (G, NP))
    gi = lax.broadcasted_iota(jnp.int32, (G, NP), 0)
    ni = lax.broadcasted_iota(jnp.int32, (G, NP), 1)
    own = (ni >= gi * GN) & (ni < gi * GN + GN)
    neg = jnp.float32(-1e30)
    S = jnp.where(own, S, neg)

    idx_cols = []
    selm = jnp.zeros((G, NP), jnp.float32)
    for _ in range(K):
        m = jnp.max(S, axis=1, keepdims=True)
        cand = jnp.where(S == m, ni, jnp.int32(2 ** 30))
        ik = jnp.min(cand, axis=1, keepdims=True)
        idx_cols.append(ik)
        wk = jnp.tanh(m + TEND) * (1.0 / K)
        hit = ni == ik
        selm = selm + jnp.where(hit, wk, 0.0)
        S = jnp.where(hit, neg, S)

    hsig = jax.nn.sigmoid(
        jnp.dot(selm, h2, preferred_element_type=jnp.float32))
    hl = jnp.dot(hsig, wlin_ref[...],
                 preferred_element_type=jnp.float32) + blin_ref[...]
    o = jax.nn.sigmoid(
        jnp.dot(hl, wclf_ref[...], preferred_element_type=jnp.float32)
        + bclf_ref[...])
    out_ref[...] = o
    perm_ref[...] = jnp.concatenate(idx_cols, axis=1)


_main = pl.pallas_call(
    _main_body,
    out_shape=(jax.ShapeDtypeStruct((G, 1), jnp.float32),
               jax.ShapeDtypeStruct((G, K), jnp.int32)),
)


def kernel(x, edge_index, edge_attr, batch, W1, b1, W2, b2, g1, be1, g2, be2,
           p, Wlin, blin, Wclf, bclf):
    src = edge_index[0].astype(jnp.int32)
    dst = edge_index[1].astype(jnp.int32)
    src2 = jnp.pad(src, (0, EP - E)).reshape(ROWS, LANES)
    dst2 = jnp.pad(dst, (0, EP - E)).reshape(ROWS, LANES)
    w2, flat2 = _prep(edge_attr, src2, dst2)
    zeros = jnp.zeros((NAP,), jnp.float32)
    aparts = _sc_build()(w2, flat2, zeros).reshape(2 * NP, NP)
    outv, permm = _main(
        aparts, x, W1, W2,
        b1.reshape(1, D), b2.reshape(1, D),
        g1.reshape(1, D), be1.reshape(1, D),
        g2.reshape(1, D), be2.reshape(1, D),
        p.reshape(1, D), Wlin, blin.reshape(1, DLIN),
        Wclf, bclf.reshape(1, 1))
    return outv.reshape(-1), permm.reshape(-1)

# --- scband reference (transcript-rebuilt; emitter-appended) ---
"""Pipeline reference for scband-temporal-bcgcn-70626442215637 (READ-ONLY COPY).

The authoritative reference and input builder live on the scoring server;
editing this copy changes nothing except your own understanding.
"""

import jax, jax.numpy as jnp
import numpy as np

node_num = 90
node_len = 115
retain_node = 10
Tendency = 0.1
batch_graphs = 10
rang = 10


def setup_inputs(seed: int = 0) -> dict:
    key = jax.random.key(seed)
    ks = jax.random.split(key, 20)
    N = batch_graphs * node_num
    E = batch_graphs * node_num * (node_num - 1)
    x = jax.random.normal(ks[0], (N, node_len), dtype=jnp.float32)
    edge_index = jax.random.randint(ks[1], (2, E), 0, N, dtype=jnp.int64)
    edge_attr = jax.random.uniform(ks[2], (E, rang), dtype=jnp.float32)
    # batch must have exactly node_num contiguous nodes per graph so the
    # downstream reshape (batch_graphs, retain_node, node_len) is valid
    batch = jnp.repeat(jnp.arange(batch_graphs, dtype=jnp.int64), node_num)
    d = node_len
    W1 = jax.random.normal(ks[3], (d, d), dtype=jnp.float32) * 0.05
    b1 = jnp.zeros((d,), dtype=jnp.float32)
    W2 = jax.random.normal(ks[4], (d, d), dtype=jnp.float32) * 0.05
    b2 = jnp.zeros((d,), dtype=jnp.float32)
    g1 = jnp.ones((d,), dtype=jnp.float32)
    be1 = jnp.zeros((d,), dtype=jnp.float32)
    g2 = jnp.ones((d,), dtype=jnp.float32)
    be2 = jnp.zeros((d,), dtype=jnp.float32)
    p = jax.random.normal(ks[5], (d,), dtype=jnp.float32) * 0.1
    Wlin = jax.random.normal(ks[6], (d, 2 * d + 1), dtype=jnp.float32) * 0.05
    blin = jnp.zeros((2 * d + 1,), dtype=jnp.float32)
    Wclf = jax.random.normal(ks[7], (2 * d + 1, 1), dtype=jnp.float32) * 0.05
    bclf = jnp.zeros((1,), dtype=jnp.float32)
    return {"x": x, "edge_index": edge_index, "edge_attr": edge_attr, "batch": batch,
            "W1": W1, "b1": b1, "W2": W2, "b2": b2,
            "g1": g1, "be1": be1, "g2": g2, "be2": be2,
            "p": p, "Wlin": Wlin, "blin": blin, "Wclf": Wclf, "bclf": bclf}


def _temporal_conv(x, edge_index, edge_attr, W, b):
    # edge-weighted message passing; temporal edge_attr collapsed over windows
    w_e = jnp.mean(edge_attr, axis=1)
    src = edge_index[0]
    dst = edge_index[1]
    msgs = x[src] * w_e[:, None]
    agg = jax.ops.segment_sum(msgs, dst, num_segments=x.shape[0])
    return jax.nn.relu((x + agg) @ W + b)


def _batch_norm(x, gamma, beta):
    mu = jnp.mean(x, axis=0)
    var = jnp.var(x, axis=0)
    return gamma * (x - mu) / jnp.sqrt(var + 1e-5) + beta


def reference(x, edge_index, edge_attr, batch, W1, b1, W2, b2, g1, be1, g2, be2, p, Wlin, blin, Wclf, bclf):
    x = _temporal_conv(x, edge_index, edge_attr, W1, b1)
    x = _batch_norm(x, g1, be1)
    x = _temporal_conv(x, edge_index, edge_attr, W2, b2)
    x = _batch_norm(x, g2, be2)
    # Category_TopK_Pooling: learned score, keep retain_node nodes per graph
    score = (x @ p) / (jnp.linalg.norm(p) + 1e-12)
    score_g = score.reshape(batch_graphs, node_num)
    _, topi = jax.lax.top_k(score_g, retain_node)
    perm = (topi + jnp.arange(batch_graphs)[:, None] * node_num).reshape(-1)
    xs = x[perm] * jnp.tanh(score[perm] + Tendency)[:, None]
    xr = xs.reshape(batch_graphs, retain_node, node_len)
    h = jax.nn.sigmoid(jnp.mean(xr, axis=1))
    h = h @ Wlin + blin
    out = (h @ Wclf + bclf).reshape(-1)
    out = jax.nn.sigmoid(out)
    return (out, perm)

if __name__ == "__main__":
    import jax
    _d = setup_inputs()
    print(jax.jit(kernel)(*tuple(_d.values())))

</pallas_src>

<mosaic_0001>
#map = affine_map<(d0, d1) -> (0, 0)>
#map1 = affine_map<(d0, d1) -> (0)>
module attributes {stable_mosaic.version = 14 : i64} {
  func.func @_sc_body(%arg0: i32, %arg1: i32, %arg2: memref<768x128xf32, #tpu.memory_space<hbm>>, %arg3: memref<768x128xi32, #tpu.memory_space<hbm>>, %arg4: memref<1048576xf32, #tpu.memory_space<hbm>>, %arg5: memref<2097152xf32, #tpu.memory_space<hbm>>, %arg6: memref<24x128xi32, #tpu.memory_space<vmem>>, %arg7: memref<24x128xf32, #tpu.memory_space<vmem>>, %arg8: memref<1048576xf32, #tpu.memory_space<vmem_shared>>, %arg9: memref<!tpu.dma_semaphore, #tpu.memory_space<semaphore_mem>>, %arg10: memref<!tpu.dma_semaphore, #tpu.memory_space<semaphore_mem>>) attributes {dimension_semantics = [#tpu.dimension_semantics<core_parallel>, #tpu.dimension_semantics<subcore_parallel>], iteration_bounds = array<i64: 2, 16>, scalar_prefetch = 0 : i64, scratch_operands = 5 : i64, tpu.core_type = #tpu.core_type<sc_vector_subcore>, window_params = [{transform_indices = #map}, {transform_indices = #map}, {transform_indices = #map1}, {transform_indices = #map1}]} {
    %mul3A = arith.constant 16 : i32
    %mul3A_0 = arith.muli %arg0, %mul3A : i32
    %add3A = arith.addi %mul3A_0, %arg1 : i32
    %mul3A_1 = arith.constant 65536 : i32
    %mul3A_2 = arith.muli %arg1, %mul3A_1 : i32
    %dma_start3A = tpu.memref_slice %arg8[%mul3A_2] : memref<1048576xf32, #tpu.memory_space<vmem_shared>> -> memref<65536xf32, #tpu.memory_space<vmem_shared>>
    %dma_start3A_3 = tpu.memref_slice %arg4[%mul3A_2] : memref<1048576xf32, #tpu.memory_space<hbm>> -> memref<65536xf32, #tpu.memory_space<hbm>>
    tpu.enqueue_dma source(%dma_start3A_3 : memref<65536xf32, #tpu.memory_space<hbm>>) target(%dma_start3A : memref<65536xf32, #tpu.memory_space<vmem_shared>>) target_semaphore(%arg9 : memref<!tpu.dma_semaphore, #tpu.memory_space<semaphore_mem>>)
    %mul3A_4 = arith.constant 24 : i32
    %mul3A_5 = arith.muli %add3A, %mul3A_4 : i32
    %dma_start3A_6 = arith.constant 0 : i32
    %dma_start3A_7 = tpu.memref_slice %arg3[%mul3A_5, %dma_start3A_6] : memref<768x128xi32, #tpu.memory_space<hbm>> -> memref<24x128xi32, #tpu.memory_space<hbm>>
    %dma_start3A_8 = arith.constant 0 : i32
    %dma_start3A_9 = tpu.memref_slice %arg3[%mul3A_5, %dma_start3A_8] : memref<768x128xi32, #tpu.memory_space<hbm>> -> memref<24x128xi32, #tpu.memory_space<hbm>>
    tpu.enqueue_dma source(%dma_start3A_9 : memref<24x128xi32, #tpu.memory_space<hbm>>) target(%arg6 : memref<24x128xi32, #tpu.memory_space<vmem>>) target_semaphore(%arg10 : memref<!tpu.dma_semaphore, #tpu.memory_space<semaphore_mem>>)
    %mul3A_10 = arith.constant 24 : i32
    %mul3A_11 = arith.muli %add3A, %mul3A_10 : i32
    %dma_start3A_12 = arith.constant 0 : i32
    %dma_start3A_13 = tpu.memref_slice %arg2[%mul3A_11, %dma_start3A_12] : memref<768x128xf32, #tpu.memory_space<hbm>> -> memref<24x128xf32, #tpu.memory_space<hbm>>
    %dma_start3A_14 = arith.constant 0 : i32
    %dma_start3A_15 = tpu.memref_slice %arg2[%mul3A_11, %dma_start3A_14] : memref<768x128xf32, #tpu.memory_space<hbm>> -> memref<24x128xf32, #tpu.memory_space<hbm>>
    tpu.enqueue_dma source(%dma_start3A_15 : memref<24x128xf32, #tpu.memory_space<hbm>>) target(%arg7 : memref<24x128xf32, #tpu.memory_space<vmem>>) target_semaphore(%arg10 : memref<!tpu.dma_semaphore, #tpu.memory_space<semaphore_mem>>)
    %dma_wait3A = arith.constant 0 : i32
    %dma_wait3A_16 = tpu.memref_slice %arg3[%mul3A_5, %dma_wait3A] : memref<768x128xi32, #tpu.memory_space<hbm>> -> memref<24x128xi32, #tpu.memory_space<hbm>>
    %dma_wait3A_17 = arith.constant 0 : i32
    %dma_wait3A_18 = tpu.memref_slice %arg3[%mul3A_5, %dma_wait3A_17] : memref<768x128xi32, #tpu.memory_space<hbm>> -> memref<24x128xi32, #tpu.memory_space<hbm>>
    tpu.wait_dma2 semaphore(%arg10 : memref<!tpu.dma_semaphore, #tpu.memory_space<semaphore_mem>>) src(%dma_wait3A_18 : memref<24x128xi32, #tpu.memory_space<hbm>>) dst(%arg6 : memref<24x128xi32, #tpu.memory_space<vmem>>)
    %dma_wait3A_19 = arith.constant 0 : i32
    %dma_wait3A_20 = tpu.memref_slice %arg2[%mul3A_11, %dma_wait3A_19] : memref<768x128xf32, #tpu.memory_space<hbm>> -> memref<24x128xf32, #tpu.memory_space<hbm>>
    %dma_wait3A_21 = arith.constant 0 : i32
    %dma_wait3A_22 = tpu.memref_slice %arg2[%mul3A_11, %dma_wait3A_21] : memref<768x128xf32, #tpu.memory_space<hbm>> -> memref<24x128xf32, #tpu.memory_space<hbm>>
    tpu.wait_dma2 semaphore(%arg10 : memref<!tpu.dma_semaphore, #tpu.memory_space<semaphore_mem>>) src(%dma_wait3A_22 : memref<24x128xf32, #tpu.memory_space<hbm>>) dst(%arg7 : memref<24x128xf32, #tpu.memory_space<vmem>>)
    %dma_wait3A_23 = tpu.memref_slice %arg8[%mul3A_2] : memref<1048576xf32, #tpu.memory_space<vmem_shared>> -> memref<65536xf32, #tpu.memory_space<vmem_shared>>
    %dma_wait3A_24 = tpu.memref_slice %arg4[%mul3A_2] : memref<1048576xf32, #tpu.memory_space<hbm>> -> memref<65536xf32, #tpu.memory_space<hbm>>
    tpu.wait_dma2 semaphore(%arg9 : memref<!tpu.dma_semaphore, #tpu.memory_space<semaphore_mem>>) src(%dma_wait3A_24 : memref<65536xf32, #tpu.memory_space<hbm>>) dst(%dma_wait3A_23 : memref<65536xf32, #tpu.memory_space<vmem_shared>>)
    %barrier3A = arith.constant 0 : index
    tpu.barrier barrier_id(%barrier3A)
    %run_scoped3A = arith.constant 0 : i32
    %run_scoped3A_25 = arith.constant 0 : i32
    "tpu.region"() ({
      %run_scoped3A_76 = tpu.sem_alloc : memref<!tpu.dma_semaphore, #tpu.memory_space<semaphore_mem>>
      %dma_start3A_77 = arith.constant 0 : i32
      %dma_start3A_78 = tpu.memref_slice %arg7[%run_scoped3A, %dma_start3A_77] : memref<24x128xf32, #tpu.memory_space<vmem>> -> memref<1x128xf32, #tpu.memory_space<vmem>>
      %dma_start3A_79 = tpu.memref_squeeze %dma_start3A_78 : memref<1x128xf32, #tpu.memory_space<vmem>> -> memref<128xf32, #tpu.memory_space<vmem>>
      %dma_start3A_80 = arith.constant 0 : i32
      %dma_start3A_81 = tpu.memref_slice %arg6[%run_scoped3A_25, %dma_start3A_80] : memref<24x128xi32, #tpu.memory_space<vmem>> -> memref<1x128xi32, #tpu.memory_space<vmem>>
      %dma_start3A_82 = tpu.memref_squeeze %dma_start3A_81 : memref<1x128xi32, #tpu.memory_space<vmem>> -> memref<128xi32, #tpu.memory_space<vmem>>
      %dma_start3A_83 = arith.constant 0 : i32
      %dma_start3A_84 = tpu.memref_slice %arg8[%dma_start3A_83] : memref<1048576xf32, #tpu.memory_space<vmem_shared>> -> memref<1048576xf32, #tpu.memory_space<vmem_shared>>
      tpu.enqueue_indirect_dma source(%dma_start3A_79 : memref<128xf32, #tpu.memory_space<vmem>>) target(%dma_start3A_84 : memref<1048576xf32, #tpu.memory_space<vmem_shared>>) offsets(%dma_start3A_82 : memref<128xi32, #tpu.memory_space<vmem>>) semaphore(%run_scoped3A_76 : memref<!tpu.dma_semaphore, #tpu.memory_space<semaphore_mem>>) {add = true}
      %dma_wait3A_85 = arith.constant 0 : i32
      %dma_wait3A_86 = tpu.memref_slice %arg7[%run_scoped3A, %dma_wait3A_85] : memref<24x128xf32, #tpu.memory_space<vmem>> -> memref<1x128xf32, #tpu.memory_space<vmem>>
      %dma_wait3A_87 = tpu.memref_squeeze %dma_wait3A_86 : memref<1x128xf32, #tpu.memory_space<vmem>> -> memref<128xf32, #tpu.memory_space<vmem>>
      %dma_wait3A_88 = arith.constant 0 : i32
      %dma_wait3A_89 = tpu.memref_slice %arg6[%run_scoped3A_25, %dma_wait3A_88] : memref<24x128xi32, #tpu.memory_space<vmem>> -> memref<1x128xi32, #tpu.memory_space<vmem>>
      %dma_wait3A_90 = tpu.memref_squeeze %dma_wait3A_89 : memref<1x128xi32, #tpu.memory_space<vmem>> -> memref<128xi32, #tpu.memory_space<vmem>>
      %dma_wait3A_91 = arith.constant 0 : i32
      %dma_wait3A_92 = tpu.memref_slice %arg8[%dma_wait3A_91] : memref<1048576xf32, #tpu.memory_space<vmem_shared>> -> memref<1048576xf32, #tpu.memory_space<vmem_shared>>
      tpu.wait_indirect_dma semaphore(%run_scoped3A_76 : memref<!tpu.dma_semaphore, #tpu.memory_space<semaphore_mem>>) src(%dma_wait3A_87 : memref<128xf32, #tpu.memory_space<vmem>>) dst(%dma_wait3A_92 : memref<1048576xf32, #tpu.memory_space<vmem_shared>>)
      tpu.yield
    }) : () -> ()
    %run_scoped3A_26 = arith.constant 1 : i32
    %run_scoped3A_27 = arith.constant 1 : i32
    "tpu.region"() ({
      %run_scoped3A_76 = tpu.sem_alloc : memref<!tpu.dma_semaphore, #tpu.memory_space<semaphore_mem>>
      %dma_start3A_77 = arith.constant 0 : i32
      %dma_start3A_78 = tpu.memref_slice %arg7[%run_scoped3A_26, %dma_start3A_77] : memref<24x128xf32, #tpu.memory_space<vmem>> -> memref<1x128xf32, #tpu.memory_space<vmem>>
      %dma_start3A_79 = tpu.memref_squeeze %dma_start3A_78 : memref<1x128xf32, #tpu.memory_space<vmem>> -> memref<128xf32, #tpu.memory_space<vmem>>
      %dma_start3A_80 = arith.constant 0 : i32
      %dma_start3A_81 = tpu.memref_slice %arg6[%run_scoped3A_27, %dma_start3A_80] : memref<24x128xi32, #tpu.memory_space<vmem>> -> memref<1x128xi32, #tpu.memory_space<vmem>>
      %dma_start3A_82 = tpu.memref_squeeze %dma_start3A_81 : memref<1x128xi32, #tpu.memory_space<vmem>> -> memref<128xi32, #tpu.memory_space<vmem>>
      %dma_start3A_83 = arith.constant 0 : i32
      %dma_start3A_84 = tpu.memref_slice %arg8[%dma_start3A_83] : memref<1048576xf32, #tpu.memory_space<vmem_shared>> -> memref<1048576xf32, #tpu.memory_space<vmem_shared>>
      tpu.enqueue_indirect_dma source(%dma_start3A_79 : memref<128xf32, #tpu.memory_space<vmem>>) target(%dma_start3A_84 : memref<1048576xf32, #tpu.memory_space<vmem_shared>>) offsets(%dma_start3A_82 : memref<128xi32, #tpu.memory_space<vmem>>) semaphore(%run_scoped3A_76 : memref<!tpu.dma_semaphore, #tpu.memory_space<semaphore_mem>>) {add = true}
      %dma_wait3A_85 = arith.constant 0 : i32
      %dma_wait3A_86 = tpu.memref_slice %arg7[%run_scoped3A_26, %dma_wait3A_85] : memref<24x128xf32, #tpu.memory_space<vmem>> -> memref<1x128xf32, #tpu.memory_space<vmem>>
      %dma_wait3A_87 = tpu.memref_squeeze %dma_wait3A_86 : memref<1x128xf32, #tpu.memory_space<vmem>> -> memref<128xf32, #tpu.memory_space<vmem>>
      %dma_wait3A_88 = arith.constant 0 : i32
      %dma_wait3A_89 = tpu.memref_slice %arg6[%run_scoped3A_27, %dma_wait3A_88] : memref<24x128xi32, #tpu.memory_space<vmem>> -> memref<1x128xi32, #tpu.memory_space<vmem>>
      %dma_wait3A_90 = tpu.memref_squeeze %dma_wait3A_89 : memref<1x128xi32, #tpu.memory_space<vmem>> -> memref<128xi32, #tpu.memory_space<vmem>>
      %dma_wait3A_91 = arith.constant 0 : i32
      %dma_wait3A_92 = tpu.memref_slice %arg8[%dma_wait3A_91] : memref<1048576xf32, #tpu.memory_space<vmem_shared>> -> memref<1048576xf32, #tpu.memory_space<vmem_shared>>
      tpu.wait_indirect_dma semaphore(%run_scoped3A_76 : memref<!tpu.dma_semaphore, #tpu.memory_space<semaphore_mem>>) src(%dma_wait3A_87 : memref<128xf32, #tpu.memory_space<vmem>>) dst(%dma_wait3A_92 : memref<1048576xf32, #tpu.memory_space<vmem_shared>>)
      tpu.yield
    }) : () -> ()
    %run_scoped3A_28 = arith.constant 2 : i32
    %run_scoped3A_29 = arith.constant 2 : i32
    "tpu.region"() ({
      %run_scoped3A_76 = tpu.sem_alloc : memref<!tpu.dma_semaphore, #tpu.memory_space<semaphore_mem>>
      %dma_start3A_77 = arith.constant 0 : i32
      %dma_start3A_78 = tpu.memref_slice %arg7[%run_scoped3A_28, %dma_start3A_77] : memref<24x128xf32, #tpu.memory_space<vmem>> -> memref<1x128xf32, #tpu.memory_space<vmem>>
      %dma_start3A_79 = tpu.memref_squeeze %dma_start3A_78 : memref<1x128xf32, #tpu.memory_space<vmem>> -> memref<128xf32, #tpu.memory_space<vmem>>
      %dma_start3A_80 = arith.constant 0 : i32
      %dma_start3A_81 = tpu.memref_slice %arg6[%run_scoped3A_29, %dma_start3A_80] : memref<24x128xi32, #tpu.memory_space<vmem>> -> memref<1x128xi32, #tpu.memory_space<vmem>>
      %dma_start3A_82 = tpu.memref_squeeze %dma_start3A_81 : memref<1x128xi32, #tpu.memory_space<vmem>> -> memref<128xi32, #tpu.memory_space<vmem>>
      %dma_start3A_83 = arith.constant 0 : i32
      %dma_start3A_84 = tpu.memref_slice %arg8[%dma_start3A_83] : memref<1048576xf32, #tpu.memory_space<vmem_shared>> -> memref<1048576xf32, #tpu.memory_space<vmem_shared>>
      tpu.enqueue_indirect_dma source(%dma_start3A_79 : memref<128xf32, #tpu.memory_space<vmem>>) target(%dma_start3A_84 : memref<1048576xf32, #tpu.memory_space<vmem_shared>>) offsets(%dma_start3A_82 : memref<128xi32, #tpu.memory_space<vmem>>) semaphore(%run_scoped3A_76 : memref<!tpu.dma_semaphore, #tpu.memory_space<semaphore_mem>>) {add = true}
      %dma_wait3A_85 = arith.constant 0 : i32
      %dma_wait3A_86 = tpu.memref_slice %arg7[%run_scoped3A_28, %dma_wait3A_85] : memref<24x128xf32, #tpu.memory_space<vmem>> -> memref<1x128xf32, #tpu.memory_space<vmem>>
      %dma_wait3A_87 = tpu.memref_squeeze %dma_wait3A_86 : memref<1x128xf32, #tpu.memory_space<vmem>> -> memref<128xf32, #tpu.memory_space<vmem>>
      %dma_wait3A_88 = arith.constant 0 : i32
      %dma_wait3A_89 = tpu.memref_slice %arg6[%run_scoped3A_29, %dma_wait3A_88] : memref<24x128xi32, #tpu.memory_space<vmem>> -> memref<1x128xi32, #tpu.memory_space<vmem>>
      %dma_wait3A_90 = tpu.memref_squeeze %dma_wait3A_89 : memref<1x128xi32, #tpu.memory_space<vmem>> -> memref<128xi32, #tpu.memory_space<vmem>>
      %dma_wait3A_91 = arith.constant 0 : i32
      %dma_wait3A_92 = tpu.memref_slice %arg8[%dma_wait3A_91] : memref<1048576xf32, #tpu.memory_space<vmem_shared>> -> memref<1048576xf32, #tpu.memory_space<vmem_shared>>
      tpu.wait_indirect_dma semaphore(%run_scoped3A_76 : memref<!tpu.dma_semaphore, #tpu.memory_space<semaphore_mem>>) src(%dma_wait3A_87 : memref<128xf32, #tpu.memory_space<vmem>>) dst(%dma_wait3A_92 : memref<1048576xf32, #tpu.memory_space<vmem_shared>>)
      tpu.yield
    }) : () -> ()
    %run_scoped3A_30 = arith.constant 3 : i32
    %run_scoped3A_31 = arith.constant 3 : i32
    "tpu.region"() ({
      %run_scoped3A_76 = tpu.sem_alloc : memref<!tpu.dma_semaphore, #tpu.memory_space<semaphore_mem>>
      %dma_start3A_77 = arith.constant 0 : i32
      %dma_start3A_78 = tpu.memref_slice %arg7[%run_scoped3A_30, %dma_start3A_77] : memref<24x128xf32, #tpu.memory_space<vmem>> -> memref<1x128xf32, #tpu.memory_space<vmem>>
      %dma_start3A_79 = tpu.memref_squeeze %dma_start3A_78 : memref<1x128xf32, #tpu.memory_space<vmem>> -> memref<128xf32, #tpu.memory_space<vmem>>
      %dma_start3A_80 = arith.constant 0 : i32
      %dma_start3A_81 = tpu.memref_slice %arg6[%run_scoped3A_31, %dma_start3A_80] : memref<24x128xi32, #tpu.memory_space<vmem>> -> memref<1x128xi32, #tpu.memory_space<vmem>>
      %dma_start3A_82 = tpu.memref_squeeze %dma_start3A_81 : memref<1x128xi32, #tpu.memory_space<vmem>> -> memref<128xi32, #tpu.memory_space<vmem>>
      %dma_start3A_83 = arith.constant 0 : i32
      %dma_start3A_84 = tpu.memref_slice %arg8[%dma_start3A_83] : memref<1048576xf32, #tpu.memory_space<vmem_shared>> -> memref<1048576xf32, #tpu.memory_space<vmem_shared>>
      tpu.enqueue_indirect_dma source(%dma_start3A_79 : memref<128xf32, #tpu.memory_space<vmem>>) target(%dma_start3A_84 : memref<1048576xf32, #tpu.memory_space<vmem_shared>>) offsets(%dma_start3A_82 : memref<128xi32, #tpu.memory_space<vmem>>) semaphore(%run_scoped3A_76 : memref<!tpu.dma_semaphore, #tpu.memory_space<semaphore_mem>>) {add = true}
      %dma_wait3A_85 = arith.constant 0 : i32
      %dma_wait3A_86 = tpu.memref_slice %arg7[%run_scoped3A_30, %dma_wait3A_85] : memref<24x128xf32, #tpu.memory_space<vmem>> -> memref<1x128xf32, #tpu.memory_space<vmem>>
      %dma_wait3A_87 = tpu.memref_squeeze %dma_wait3A_86 : memref<1x128xf32, #tpu.memory_space<vmem>> -> memref<128xf32, #tpu.memory_space<vmem>>
      %dma_wait3A_88 = arith.constant 0 : i32
      %dma_wait3A_89 = tpu.memref_slice %arg6[%run_scoped3A_31, %dma_wait3A_88] : memref<24x128xi32, #tpu.memory_space<vmem>> -> memref<1x128xi32, #tpu.memory_space<vmem>>
      %dma_wait3A_90 = tpu.memref_squeeze %dma_wait3A_89 : memref<1x128xi32, #tpu.memory_space<vmem>> -> memref<128xi32, #tpu.memory_space<vmem>>
      %dma_wait3A_91 = arith.constant 0 : i32
      %dma_wait3A_92 = tpu.memref_slice %arg8[%dma_wait3A_91] : memref<1048576xf32, #tpu.memory_space<vmem_shared>> -> memref<1048576xf32, #tpu.memory_space<vmem_shared>>
      tpu.wait_indirect_dma semaphore(%run_scoped3A_76 : memref<!tpu.dma_semaphore, #tpu.memory_space<semaphore_mem>>) src(%dma_wait3A_87 : memref<128xf32, #tpu.memory_space<vmem>>) dst(%dma_wait3A_92 : memref<1048576xf32, #tpu.memory_space<vmem_shared>>)
      tpu.yield
    }) : () -> ()
    %run_scoped3A_32 = arith.constant 4 : i32
    %run_scoped3A_33 = arith.constant 4 : i32
    "tpu.region"() ({
      %run_scoped3A_76 = tpu.sem_alloc : memref<!tpu.dma_semaphore, #tpu.memory_space<semaphore_mem>>
      %dma_start3A_77 = arith.constant 0 : i32
      %dma_start3A_78 = tpu.memref_slice %arg7[%run_scoped3A_32, %dma_start3A_77] : memref<24x128xf32, #tpu.memory_space<vmem>> -> memref<1x128xf32, #tpu.memory_space<vmem>>
      %dma_start3A_79 = tpu.memref_squeeze %dma_start3A_78 : memref<1x128xf32, #tpu.memory_space<vmem>> -> memref<128xf32, #tpu.memory_space<vmem>>
      %dma_start3A_80 = arith.constant 0 : i32
      %dma_start3A_81 = tpu.memref_slice %arg6[%run_scoped3A_33, %dma_start3A_80] : memref<24x128xi32, #tpu.memory_space<vmem>> -> memref<1x128xi32, #tpu.memory_space<vmem>>
      %dma_start3A_82 = tpu.memref_squeeze %dma_start3A_81 : memref<1x128xi32, #tpu.memory_space<vmem>> -> memref<128xi32, #tpu.memory_space<vmem>>
      %dma_start3A_83 = arith.constant 0 : i32
      %dma_start3A_84 = tpu.memref_slice %arg8[%dma_start3A_83] : memref<1048576xf32, #tpu.memory_space<vmem_shared>> -> memref<1048576xf32, #tpu.memory_space<vmem_shared>>
      tpu.enqueue_indirect_dma source(%dma_start3A_79 : memref<128xf32, #tpu.memory_space<vmem>>) target(%dma_start3A_84 : memref<1048576xf32, #tpu.memory_space<vmem_shared>>) offsets(%dma_start3A_82 : memref<128xi32, #tpu.memory_space<vmem>>) semaphore(%run_scoped3A_76 : memref<!tpu.dma_semaphore, #tpu.memory_space<semaphore_mem>>) {add = true}
      %dma_wait3A_85 = arith.constant 0 : i32
      %dma_wait3A_86 = tpu.memref_slice %arg7[%run_scoped3A_32, %dma_wait3A_85] : memref<24x128xf32, #tpu.memory_space<vmem>> -> memref<1x128xf32, #tpu.memory_space<vmem>>
      %dma_wait3A_87 = tpu.memref_squeeze %dma_wait3A_86 : memref<1x128xf32, #tpu.memory_space<vmem>> -> memref<128xf32, #tpu.memory_space<vmem>>
      %dma_wait3A_88 = arith.constant 0 : i32
      %dma_wait3A_89 = tpu.memref_slice %arg6[%run_scoped3A_33, %dma_wait3A_88] : memref<24x128xi32, #tpu.memory_space<vmem>> -> memref<1x128xi32, #tpu.memory_space<vmem>>
      %dma_wait3A_90 = tpu.memref_squeeze %dma_wait3A_89 : memref<1x128xi32, #tpu.memory_space<vmem>> -> memref<128xi32, #tpu.memory_space<vmem>>
      %dma_wait3A_91 = arith.constant 0 : i32
      %dma_wait3A_92 = tpu.memref_slice %arg8[%dma_wait3A_91] : memref<1048576xf32, #tpu.memory_space<vmem_shared>> -> memref<1048576xf32, #tpu.memory_space<vmem_shared>>
      tpu.wait_indirect_dma semaphore(%run_scoped3A_76 : memref<!tpu.dma_semaphore, #tpu.memory_space<semaphore_mem>>) src(%dma_wait3A_87 : memref<128xf32, #tpu.memory_space<vmem>>) dst(%dma_wait3A_92 : memref<1048576xf32, #tpu.memory_space<vmem_shared>>)
      tpu.yield
    }) : () -> ()
    %run_scoped3A_34 = arith.constant 5 : i32
    %run_scoped3A_35 = arith.constant 5 : i32
    "tpu.region"() ({
      %run_scoped3A_76 = tpu.sem_alloc : memref<!tpu.dma_semaphore, #tpu.memory_space<semaphore_mem>>
      %dma_start3A_77 = arith.constant 0 : i32
      %dma_start3A_78 = tpu.memref_slice %arg7[%run_scoped3A_34, %dma_start3A_77] : memref<24x128xf32, #tpu.memory_space<vmem>> -> memref<1x128xf32, #tpu.memory_space<vmem>>
      %dma_start3A_79 = tpu.memref_squeeze %dma_start3A_78 : memref<1x128xf32, #tpu.memory_space<vmem>> -> memref<128xf32, #tpu.memory_space<vmem>>
      %dma_start3A_80 = arith.constant 0 : i32
      %dma_start3A_81 = tpu.memref_slice %arg6[%run_scoped3A_35, %dma_start3A_80] : memref<24x128xi32, #tpu.memory_space<vmem>> -> memref<1x128xi32, #tpu.memory_space<vmem>>
      %dma_start3A_82 = tpu.memref_squeeze %dma_start3A_81 : memref<1x128xi32, #tpu.memory_space<vmem>> -> memref<128xi32, #tpu.memory_space<vmem>>
      %dma_start3A_83 = arith.constant 0 : i32
      %dma_start3A_84 = tpu.memref_slice %arg8[%dma_start3A_83] : memref<1048576xf32, #tpu.memory_space<vmem_shared>> -> memref<1048576xf32, #tpu.memory_space<vmem_shared>>
      tpu.enqueue_indirect_dma source(%dma_start3A_79 : memref<128xf32, #tpu.memory_space<vmem>>) target(%dma_start3A_84 : memref<1048576xf32, #tpu.memory_space<vmem_shared>>) offsets(%dma_start3A_82 : memref<128xi32, #tpu.memory_space<vmem>>) semaphore(%run_scoped3A_76 : memref<!tpu.dma_semaphore, #tpu.memory_space<semaphore_mem>>) {add = true}
      %dma_wait3A_85 = arith.constant 0 : i32
      %dma_wait3A_86 = tpu.memref_slice %arg7[%run_scoped3A_34, %dma_wait3A_85] : memref<24x128xf32, #tpu.memory_space<vmem>> -> memref<1x128xf32, #tpu.memory_space<vmem>>
      %dma_wait3A_87 = tpu.memref_squeeze %dma_wait3A_86 : memref<1x128xf32, #tpu.memory_space<vmem>> -> memref<128xf32, #tpu.memory_space<vmem>>
      %dma_wait3A_88 = arith.constant 0 : i32
      %dma_wait3A_89 = tpu.memref_slice %arg6[%run_scoped3A_35, %dma_wait3A_88] : memref<24x128xi32, #tpu.memory_space<vmem>> -> memref<1x128xi32, #tpu.memory_space<vmem>>
      %dma_wait3A_90 = tpu.memref_squeeze %dma_wait3A_89 : memref<1x128xi32, #tpu.memory_space<vmem>> -> memref<128xi32, #tpu.memory_space<vmem>>
      %dma_wait3A_91 = arith.constant 0 : i32
      %dma_wait3A_92 = tpu.memref_slice %arg8[%dma_wait3A_91] : memref<1048576xf32, #tpu.memory_space<vmem_shared>> -> memref<1048576xf32, #tpu.memory_space<vmem_shared>>
      tpu.wait_indirect_dma semaphore(%run_scoped3A_76 : memref<!tpu.dma_semaphore, #tpu.memory_space<semaphore_mem>>) src(%dma_wait3A_87 : memref<128xf32, #tpu.memory_space<vmem>>) dst(%dma_wait3A_92 : memref<1048576xf32, #tpu.memory_space<vmem_shared>>)
      tpu.yield
    }) : () -> ()
    %run_scoped3A_36 = arith.constant 6 : i32
    %run_scoped3A_37 = arith.constant 6 : i32
    "tpu.region"() ({
      %run_scoped3A_76 = tpu.sem_alloc : memref<!tpu.dma_semaphore, #tpu.memory_space<semaphore_mem>>
      %dma_start3A_77 = arith.constant 0 : i32
      %dma_start3A_78 = tpu.memref_slice %arg7[%run_scoped3A_36, %dma_start3A_77] : memref<24x128xf32, #tpu.memory_space<vmem>> -> memref<1x128xf32, #tpu.memory_space<vmem>>
      %dma_start3A_79 = tpu.memref_squeeze %dma_start3A_78 : memref<1x128xf32, #tpu.memory_space<vmem>> -> memref<128xf32, #tpu.memory_space<vmem>>
      %dma_start3A_80 = arith.constant 0 : i32
      %dma_start3A_81 = tpu.memref_slice %arg6[%run_scoped3A_37, %dma_start3A_80] : memref<24x128xi32, #tpu.memory_space<vmem>> -> memref<1x128xi32, #tpu.memory_space<vmem>>
      %dma_start3A_82 = tpu.memref_squeeze %dma_start3A_81 : memref<1x128xi32, #tpu.memory_space<vmem>> -> memref<128xi32, #tpu.memory_space<vmem>>
      %dma_start3A_83 = arith.constant 0 : i32
      %dma_start3A_84 = tpu.memref_slice %arg8[%dma_start3A_83] : memref<1048576xf32, #tpu.memory_space<vmem_shared>> -> memref<1048576xf32, #tpu.memory_space<vmem_shared>>
      tpu.enqueue_indirect_dma source(%dma_start3A_79 : memref<128xf32, #tpu.memory_space<vmem>>) target(%dma_start3A_84 : memref<1048576xf32, #tpu.memory_space<vmem_shared>>) offsets(%dma_start3A_82 : memref<128xi32, #tpu.memory_space<vmem>>) semaphore(%run_scoped3A_76 : memref<!tpu.dma_semaphore, #tpu.memory_space<semaphore_mem>>) {add = true}
      %dma_wait3A_85 = arith.constant 0 : i32
      %dma_wait3A_86 = tpu.memref_slice %arg7[%run_scoped3A_36, %dma_wait3A_85] : memref<24x128xf32, #tpu.memory_space<vmem>> -> memref<1x128xf32, #tpu.memory_space<vmem>>
      %dma_wait3A_87 = tpu.memref_squeeze %dma_wait3A_86 : memref<1x128xf32, #tpu.memory_space<vmem>> -> memref<128xf32, #tpu.memory_space<vmem>>
      %dma_wait3A_88 = arith.constant 0 : i32
      %dma_wait3A_89 = tpu.memref_slice %arg6[%run_scoped3A_37, %dma_wait3A_88] : memref<24x128xi32, #tpu.memory_space<vmem>> -> memref<1x128xi32, #tpu.memory_space<vmem>>
      %dma_wait3A_90 = tpu.memref_squeeze %dma_wait3A_89 : memref<1x128xi32, #tpu.memory_space<vmem>> -> memref<128xi32, #tpu.memory_space<vmem>>
      %dma_wait3A_91 = arith.constant 0 : i32
      %dma_wait3A_92 = tpu.memref_slice %arg8[%dma_wait3A_91] : memref<1048576xf32, #tpu.memory_space<vmem_shared>> -> memref<1048576xf32, #tpu.memory_space<vmem_shared>>
      tpu.wait_indirect_dma semaphore(%run_scoped3A_76 : memref<!tpu.dma_semaphore, #tpu.memory_space<semaphore_mem>>) src(%dma_wait3A_87 : memref<128xf32, #tpu.memory_space<vmem>>) dst(%dma_wait3A_92 : memref<1048576xf32, #tpu.memory_space<vmem_shared>>)
      tpu.yield
    }) : () -> ()
    %run_scoped3A_38 = arith.constant 7 : i32
    %run_scoped3A_39 = arith.constant 7 : i32
    "tpu.region"() ({
      %run_scoped3A_76 = tpu.sem_alloc : memref<!tpu.dma_semaphore, #tpu.memory_space<semaphore_mem>>
      %dma_start3A_77 = arith.constant 0 : i32
      %dma_start3A_78 = tpu.memref_slice %arg7[%run_scoped3A_38, %dma_start3A_77] : memref<24x128xf32, #tpu.memory_space<vmem>> -> memref<1x128xf32, #tpu.memory_space<vmem>>
      %dma_start3A_79 = tpu.memref_squeeze %dma_start3A_78 : memref<1x128xf32, #tpu.memory_space<vmem>> -> memref<128xf32, #tpu.memory_space<vmem>>
      %dma_start3A_80 = arith.constant 0 : i32
      %dma_start3A_81 = tpu.memref_slice %arg6[%run_scoped3A_39, %dma_start3A_80] : memref<24x128xi32, #tpu.memory_space<vmem>> -> memref<1x128xi32, #tpu.memory_space<vmem>>
      %dma_start3A_82 = tpu.memref_squeeze %dma_start3A_81 : memref<1x128xi32, #tpu.memory_space<vmem>> -> memref<128xi32, #tpu.memory_space<vmem>>
      %dma_start3A_83 = arith.constant 0 : i32
      %dma_start3A_84 = tpu.memref_slice %arg8[%dma_start3A_83] : memref<1048576xf32, #tpu.memory_space<vmem_shared>> -> memref<1048576xf32, #tpu.memory_space<vmem_shared>>
      tpu.enqueue_indirect_dma source(%dma_start3A_79 : memref<128xf32, #tpu.memory_space<vmem>>) target(%dma_start3A_84 : memref<1048576xf32, #tpu.memory_space<vmem_shared>>) offsets(%dma_start3A_82 : memref<128xi32, #tpu.memory_space<vmem>>) semaphore(%run_scoped3A_76 : memref<!tpu.dma_semaphore, #tpu.memory_space<semaphore_mem>>) {add = true}
      %dma_wait3A_85 = arith.constant 0 : i32
      %dma_wait3A_86 = tpu.memref_slice %arg7[%run_scoped3A_38, %dma_wait3A_85] : memref<24x128xf32, #tpu.memory_space<vmem>> -> memref<1x128xf32, #tpu.memory_space<vmem>>
      %dma_wait3A_87 = tpu.memref_squeeze %dma_wait3A_86 : memref<1x128xf32, #tpu.memory_space<vmem>> -> memref<128xf32, #tpu.memory_space<vmem>>
      %dma_wait3A_88 = arith.constant 0 : i32
      %dma_wait3A_89 = tpu.memref_slice %arg6[%run_scoped3A_39, %dma_wait3A_88] : memref<24x128xi32, #tpu.memory_space<vmem>> -> memref<1x128xi32, #tpu.memory_space<vmem>>
      %dma_wait3A_90 = tpu.memref_squeeze %dma_wait3A_89 : memref<1x128xi32, #tpu.memory_space<vmem>> -> memref<128xi32, #tpu.memory_space<vmem>>
      %dma_wait3A_91 = arith.constant 0 : i32
      %dma_wait3A_92 = tpu.memref_slice %arg8[%dma_wait3A_91] : memref<1048576xf32, #tpu.memory_space<vmem_shared>> -> memref<1048576xf32, #tpu.memory_space<vmem_shared>>
      tpu.wait_indirect_dma semaphore(%run_scoped3A_76 : memref<!tpu.dma_semaphore, #tpu.memory_space<semaphore_mem>>) src(%dma_wait3A_87 : memref<128xf32, #tpu.memory_space<vmem>>) dst(%dma_wait3A_92 : memref<1048576xf32, #tpu.memory_space<vmem_shared>>)
      tpu.yield
    }) : () -> ()
    %run_scoped3A_40 = arith.constant 8 : i32
    %run_scoped3A_41 = arith.constant 8 : i32
    "tpu.region"() ({
      %run_scoped3A_76 = tpu.sem_alloc : memref<!tpu.dma_semaphore, #tpu.memory_space<semaphore_mem>>
      %dma_start3A_77 = arith.constant 0 : i32
      %dma_start3A_78 = tpu.memref_slice %arg7[%run_scoped3A_40, %dma_start3A_77] : memref<24x128xf32, #tpu.memory_space<vmem>> -> memref<1x128xf32, #tpu.memory_space<vmem>>
      %dma_start3A_79 = tpu.memref_squeeze %dma_start3A_78 : memref<1x128xf32, #tpu.memory_space<vmem>> -> memref<128xf32, #tpu.memory_space<vmem>>
      %dma_start3A_80 = arith.constant 0 : i32
      %dma_start3A_81 = tpu.memref_slice %arg6[%run_scoped3A_41, %dma_start3A_80] : memref<24x128xi32, #tpu.memory_space<vmem>> -> memref<1x128xi32, #tpu.memory_space<vmem>>
      %dma_start3A_82 = tpu.memref_squeeze %dma_start3A_81 : memref<1x128xi32, #tpu.memory_space<vmem>> -> memref<128xi32, #tpu.memory_space<vmem>>
      %dma_start3A_83 = arith.constant 0 : i32
      %dma_start3A_84 = tpu.memref_slice %arg8[%dma_start3A_83] : memref<1048576xf32, #tpu.memory_space<vmem_shared>> -> memref<1048576xf32, #tpu.memory_space<vmem_shared>>
      tpu.enqueue_indirect_dma source(%dma_start3A_79 : memref<128xf32, #tpu.memory_space<vmem>>) target(%dma_start3A_84 : memref<1048576xf32, #tpu.memory_space<vmem_shared>>) offsets(%dma_start3A_82 : memref<128xi32, #tpu.memory_space<vmem>>) semaphore(%run_scoped3A_76 : memref<!tpu.dma_semaphore, #tpu.memory_space<semaphore_mem>>) {add = true}
      %dma_wait3A_85 = arith.constant 0 : i32
      %dma_wait3A_86 = tpu.memref_slice %arg7[%run_scoped3A_40, %dma_wait3A_85] : memref<24x128xf32, #tpu.memory_space<vmem>> -> memref<1x128xf32, #tpu.memory_space<vmem>>
      %dma_wait3A_87 = tpu.memref_squeeze %dma_wait3A_86 : memref<1x128xf32, #tpu.memory_space<vmem>> -> memref<128xf32, #tpu.memory_space<vmem>>
      %dma_wait3A_88 = arith.constant 0 : i32
      %dma_wait3A_89 = tpu.memref_slice %arg6[%run_scoped3A_41, %dma_wait3A_88] : memref<24x128xi32, #tpu.memory_space<vmem>> -> memref<1x128xi32, #tpu.memory_space<vmem>>
      %dma_wait3A_90 = tpu.memref_squeeze %dma_wait3A_89 : memref<1x128xi32, #tpu.memory_space<vmem>> -> memref<128xi32, #tpu.memory_space<vmem>>
      %dma_wait3A_91 = arith.constant 0 : i32
      %dma_wait3A_92 = tpu.memref_slice %arg8[%dma_wait3A_91] : memref<1048576xf32, #tpu.memory_space<vmem_shared>> -> memref<1048576xf32, #tpu.memory_space<vmem_shared>>
      tpu.wait_indirect_dma semaphore(%run_scoped3A_76 : memref<!tpu.dma_semaphore, #tpu.memory_space<semaphore_mem>>) src(%dma_wait3A_87 : memref<128xf32, #tpu.memory_space<vmem>>) dst(%dma_wait3A_92 : memref<1048576xf32, #tpu.memory_space<vmem_shared>>)
      tpu.yield
    }) : () -> ()
    %run_scoped3A_42 = arith.constant 9 : i32
    %run_scoped3A_43 = arith.constant 9 : i32
    "tpu.region"() ({
      %run_scoped3A_76 = tpu.sem_alloc : memref<!tpu.dma_semaphore, #tpu.memory_space<semaphore_mem>>
      %dma_start3A_77 = arith.constant 0 : i32
      %dma_start3A_78 = tpu.memref_slice %arg7[%run_scoped3A_42, %dma_start3A_77] : memref<24x128xf32, #tpu.memory_space<vmem>> -> memref<1x128xf32, #tpu.memory_space<vmem>>
      %dma_start3A_79 = tpu.memref_squeeze %dma_start3A_78 : memref<1x128xf32, #tpu.memory_space<vmem>> -> memref<128xf32, #tpu.memory_space<vmem>>
      %dma_start3A_80 = arith.constant 0 : i32
      %dma_start3A_81 = tpu.memref_slice %arg6[%run_scoped3A_43, %dma_start3A_80] : memref<24x128xi32, #tpu.memory_space<vmem>> -> memref<1x128xi32, #tpu.memory_space<vmem>>
      %dma_start3A_82 = tpu.memref_squeeze %dma_start3A_81 : memref<1x128xi32, #tpu.memory_space<vmem>> -> memref<128xi32, #tpu.memory_space<vmem>>
      %dma_start3A_83 = arith.constant 0 : i32
      %dma_start3A_84 = tpu.memref_slice %arg8[%dma_start3A_83] : memref<1048576xf32, #tpu.memory_space<vmem_shared>> -> memref<1048576xf32, #tpu.memory_space<vmem_shared>>
      tpu.enqueue_indirect_dma source(%dma_start3A_79 : memref<128xf32, #tpu.memory_space<vmem>>) target(%dma_start3A_84 : memref<1048576xf32, #tpu.memory_space<vmem_shared>>) offsets(%dma_start3A_82 : memref<128xi32, #tpu.memory_space<vmem>>) semaphore(%run_scoped3A_76 : memref<!tpu.dma_semaphore, #tpu.memory_space<semaphore_mem>>) {add = true}
      %dma_wait3A_85 = arith.constant 0 : i32
      %dma_wait3A_86 = tpu.memref_slice %arg7[%run_scoped3A_42, %dma_wait3A_85] : memref<24x128xf32, #tpu.memory_space<vmem>> -> memref<1x128xf32, #tpu.memory_space<vmem>>
      %dma_wait3A_87 = tpu.memref_squeeze %dma_wait3A_86 : memref<1x128xf32, #tpu.memory_space<vmem>> -> memref<128xf32, #tpu.memory_space<vmem>>
      %dma_wait3A_88 = arith.constant 0 : i32
      %dma_wait3A_89 = tpu.memref_slice %arg6[%run_scoped3A_43, %dma_wait3A_88] : memref<24x128xi32, #tpu.memory_space<vmem>> -> memref<1x128xi32, #tpu.memory_space<vmem>>
      %dma_wait3A_90 = tpu.memref_squeeze %dma_wait3A_89 : memref<1x128xi32, #tpu.memory_space<vmem>> -> memref<128xi32, #tpu.memory_space<vmem>>
      %dma_wait3A_91 = arith.constant 0 : i32
      %dma_wait3A_92 = tpu.memref_slice %arg8[%dma_wait3A_91] : memref<1048576xf32, #tpu.memory_space<vmem_shared>> -> memref<1048576xf32, #tpu.memory_space<vmem_shared>>
      tpu.wait_indirect_dma semaphore(%run_scoped3A_76 : memref<!tpu.dma_semaphore, #tpu.memory_space<semaphore_mem>>) src(%dma_wait3A_87 : memref<128xf32, #tpu.memory_space<vmem>>) dst(%dma_wait3A_92 : memref<1048576xf32, #tpu.memory_space<vmem_shared>>)
      tpu.yield
    }) : () -> ()
    %run_scoped3A_44 = arith.constant 10 : i32
    %run_scoped3A_45 = arith.constant 10 : i32
    "tpu.region"() ({
      %run_scoped3A_76 = tpu.sem_alloc : memref<!tpu.dma_semaphore, #tpu.memory_space<semaphore_mem>>
      %dma_start3A_77 = arith.constant 0 : i32
      %dma_start3A_78 = tpu.memref_slice %arg7[%run_scoped3A_44, %dma_start3A_77] : memref<24x128xf32, #tpu.memory_space<vmem>> -> memref<1x128xf32, #tpu.memory_space<vmem>>
      %dma_start3A_79 = tpu.memref_squeeze %dma_start3A_78 : memref<1x128xf32, #tpu.memory_space<vmem>> -> memref<128xf32, #tpu.memory_space<vmem>>
      %dma_start3A_80 = arith.constant 0 : i32
      %dma_start3A_81 = tpu.memref_slice %arg6[%run_scoped3A_45, %dma_start3A_80] : memref<24x128xi32, #tpu.memory_space<vmem>> -> memref<1x128xi32, #tpu.memory_space<vmem>>
      %dma_start3A_82 = tpu.memref_squeeze %dma_start3A_81 : memref<1x128xi32, #tpu.memory_space<vmem>> -> memref<128xi32, #tpu.memory_space<vmem>>
      %dma_start3A_83 = arith.constant 0 : i32
      %dma_start3A_84 = tpu.memref_slice %arg8[%dma_start3A_83] : memref<1048576xf32, #tpu.memory_space<vmem_shared>> -> memref<1048576xf32, #tpu.memory_space<vmem_shared>>
      tpu.enqueue_indirect_dma source(%dma_start3A_79 : memref<128xf32, #tpu.memory_space<vmem>>) target(%dma_start3A_84 : memref<1048576xf32, #tpu.memory_space<vmem_shared>>) offsets(%dma_start3A_82 : memref<128xi32, #tpu.memory_space<vmem>>) semaphore(%run_scoped3A_76 : memref<!tpu.dma_semaphore, #tpu.memory_space<semaphore_mem>>) {add = true}
      %dma_wait3A_85 = arith.constant 0 : i32
      %dma_wait3A_86 = tpu.memref_slice %arg7[%run_scoped3A_44, %dma_wait3A_85] : memref<24x128xf32, #tpu.memory_space<vmem>> -> memref<1x128xf32, #tpu.memory_space<vmem>>
      %dma_wait3A_87 = tpu.memref_squeeze %dma_wait3A_86 : memref<1x128xf32, #tpu.memory_space<vmem>> -> memref<128xf32, #tpu.memory_space<vmem>>
      %dma_wait3A_88 = arith.constant 0 : i32
      %dma_wait3A_89 = tpu.memref_slice %arg6[%run_scoped3A_45, %dma_wait3A_88] : memref<24x128xi32, #tpu.memory_space<vmem>> -> memref<1x128xi32, #tpu.memory_space<vmem>>
      %dma_wait3A_90 = tpu.memref_squeeze %dma_wait3A_89 : memref<1x128xi32, #tpu.memory_space<vmem>> -> memref<128xi32, #tpu.memory_space<vmem>>
      %dma_wait3A_91 = arith.constant 0 : i32
      %dma_wait3A_92 = tpu.memref_slice %arg8[%dma_wait3A_91] : memref<1048576xf32, #tpu.memory_space<vmem_shared>> -> memref<1048576xf32, #tpu.memory_space<vmem_shared>>
      tpu.wait_indirect_dma semaphore(%run_scoped3A_76 : memref<!tpu.dma_semaphore, #tpu.memory_space<semaphore_mem>>) src(%dma_wait3A_87 : memref<128xf32, #tpu.memory_space<vmem>>) dst(%dma_wait3A_92 : memref<1048576xf32, #tpu.memory_space<vmem_shared>>)
      tpu.yield
    }) : () -> ()
    %run_scoped3A_46 = arith.constant 11 : i32
    %run_scoped3A_47 = arith.constant 11 : i32
    "tpu.region"() ({
      %run_scoped3A_76 = tpu.sem_alloc : memref<!tpu.dma_semaphore, #tpu.memory_space<semaphore_mem>>
      %dma_start3A_77 = arith.constant 0 : i32
      %dma_start3A_78 = tpu.memref_slice %arg7[%run_scoped3A_46, %dma_start3A_77] : memref<24x128xf32, #tpu.memory_space<vmem>> -> memref<1x128xf32, #tpu.memory_space<vmem>>
      %dma_start3A_79 = tpu.memref_squeeze %dma_start3A_78 : memref<1x128xf32, #tpu.memory_space<vmem>> -> memref<128xf32, #tpu.memory_space<vmem>>
      %dma_start3A_80 = arith.constant 0 : i32
      %dma_start3A_81 = tpu.memref_slice %arg6[%run_scoped3A_47, %dma_start3A_80] : memref<24x128xi32, #tpu.memory_space<vmem>> -> memref<1x128xi32, #tpu.memory_space<vmem>>
      %dma_start3A_82 = tpu.memref_squeeze %dma_start3A_81 : memref<1x128xi32, #tpu.memory_space<vmem>> -> memref<128xi32, #tpu.memory_space<vmem>>
      %dma_start3A_83 = arith.constant 0 : i32
      %dma_start3A_84 = tpu.memref_slice %arg8[%dma_start3A_83] : memref<1048576xf32, #tpu.memory_space<vmem_shared>> -> memref<1048576xf32, #tpu.memory_space<vmem_shared>>
      tpu.enqueue_indirect_dma source(%dma_start3A_79 : memref<128xf32, #tpu.memory_space<vmem>>) target(%dma_start3A_84 : memref<1048576xf32, #tpu.memory_space<vmem_shared>>) offsets(%dma_start3A_82 : memref<128xi32, #tpu.memory_space<vmem>>) semaphore(%run_scoped3A_76 : memref<!tpu.dma_semaphore, #tpu.memory_space<semaphore_mem>>) {add = true}
      %dma_wait3A_85 = arith.constant 0 : i32
      %dma_wait3A_86 = tpu.memref_slice %arg7[%run_scoped3A_46, %dma_wait3A_85] : memref<24x128xf32, #tpu.memory_space<vmem>> -> memref<1x128xf32, #tpu.memory_space<vmem>>
      %dma_wait3A_87 = tpu.memref_squeeze %dma_wait3A_86 : memref<1x128xf32, #tpu.memory_space<vmem>> -> memref<128xf32, #tpu.memory_space<vmem>>
      %dma_wait3A_88 = arith.constant 0 : i32
      %dma_wait3A_89 = tpu.memref_slice %arg6[%run_scoped3A_47, %dma_wait3A_88] : memref<24x128xi32, #tpu.memory_space<vmem>> -> memref<1x128xi32, #tpu.memory_space<vmem>>
      %dma_wait3A_90 = tpu.memref_squeeze %dma_wait3A_89 : memref<1x128xi32, #tpu.memory_space<vmem>> -> memref<128xi32, #tpu.memory_space<vmem>>
      %dma_wait3A_91 = arith.constant 0 : i32
      %dma_wait3A_92 = tpu.memref_slice %arg8[%dma_wait3A_91] : memref<1048576xf32, #tpu.memory_space<vmem_shared>> -> memref<1048576xf32, #tpu.memory_space<vmem_shared>>
      tpu.wait_indirect_dma semaphore(%run_scoped3A_76 : memref<!tpu.dma_semaphore, #tpu.memory_space<semaphore_mem>>) src(%dma_wait3A_87 : memref<128xf32, #tpu.memory_space<vmem>>) dst(%dma_wait3A_92 : memref<1048576xf32, #tpu.memory_space<vmem_shared>>)
      tpu.yield
    }) : () -> ()
    %run_scoped3A_48 = arith.constant 12 : i32
    %run_scoped3A_49 = arith.constant 12 : i32
    "tpu.region"() ({
      %run_scoped3A_76 = tpu.sem_alloc : memref<!tpu.dma_semaphore, #tpu.memory_space<semaphore_mem>>
      %dma_start3A_77 = arith.constant 0 : i32
      %dma_start3A_78 = tpu.memref_slice %arg7[%run_scoped3A_48, %dma_start3A_77] : memref<24x128xf32, #tpu.memory_space<vmem>> -> memref<1x128xf32, #tpu.memory_space<vmem>>
      %dma_start3A_79 = tpu.memref_squeeze %dma_start3A_78 : memref<1x128xf32, #tpu.memory_space<vmem>> -> memref<128xf32, #tpu.memory_space<vmem>>
      %dma_start3A_80 = arith.constant 0 : i32
      %dma_start3A_81 = tpu.memref_slice %arg6[%run_scoped3A_49, %dma_start3A_80] : memref<24x128xi32, #tpu.memory_space<vmem>> -> memref<1x128xi32, #tpu.memory_space<vmem>>
      %dma_start3A_82 = tpu.memref_squeeze %dma_start3A_81 : memref<1x128xi32, #tpu.memory_space<vmem>> -> memref<128xi32, #tpu.memory_space<vmem>>
      %dma_start3A_83 = arith.constant 0 : i32
      %dma_start3A_84 = tpu.memref_slice %arg8[%dma_start3A_83] : memref<1048576xf32, #tpu.memory_space<vmem_shared>> -> memref<1048576xf32, #tpu.memory_space<vmem_shared>>
      tpu.enqueue_indirect_dma source(%dma_start3A_79 : memref<128xf32, #tpu.memory_space<vmem>>) target(%dma_start3A_84 : memref<1048576xf32, #tpu.memory_space<vmem_shared>>) offsets(%dma_start3A_82 : memref<128xi32, #tpu.memory_space<vmem>>) semaphore(%run_scoped3A_76 : memref<!tpu.dma_semaphore, #tpu.memory_space<semaphore_mem>>) {add = true}
      %dma_wait3A_85 = arith.constant 0 : i32
      %dma_wait3A_86 = tpu.memref_slice %arg7[%run_scoped3A_48, %dma_wait3A_85] : memref<24x128xf32, #tpu.memory_space<vmem>> -> memref<1x128xf32, #tpu.memory_space<vmem>>
      %dma_wait3A_87 = tpu.memref_squeeze %dma_wait3A_86 : memref<1x128xf32, #tpu.memory_space<vmem>> -> memref<128xf32, #tpu.memory_space<vmem>>
      %dma_wait3A_88 = arith.constant 0 : i32
      %dma_wait3A_89 = tpu.memref_slice %arg6[%run_scoped3A_49, %dma_wait3A_88] : memref<24x128xi32, #tpu.memory_space<vmem>> -> memref<1x128xi32, #tpu.memory_space<vmem>>
      %dma_wait3A_90 = tpu.memref_squeeze %dma_wait3A_89 : memref<1x128xi32, #tpu.memory_space<vmem>> -> memref<128xi32, #tpu.memory_space<vmem>>
      %dma_wait3A_91 = arith.constant 0 : i32
      %dma_wait3A_92 = tpu.memref_slice %arg8[%dma_wait3A_91] : memref<1048576xf32, #tpu.memory_space<vmem_shared>> -> memref<1048576xf32, #tpu.memory_space<vmem_shared>>
      tpu.wait_indirect_dma semaphore(%run_scoped3A_76 : memref<!tpu.dma_semaphore, #tpu.memory_space<semaphore_mem>>) src(%dma_wait3A_87 : memref<128xf32, #tpu.memory_space<vmem>>) dst(%dma_wait3A_92 : memref<1048576xf32, #tpu.memory_space<vmem_shared>>)
      tpu.yield
    }) : () -> ()
    %run_scoped3A_50 = arith.constant 13 : i32
    %run_scoped3A_51 = arith.constant 13 : i32
    "tpu.region"() ({
      %run_scoped3A_76 = tpu.sem_alloc : memref<!tpu.dma_semaphore, #tpu.memory_space<semaphore_mem>>
      %dma_start3A_77 = arith.constant 0 : i32
      %dma_start3A_78 = tpu.memref_slice %arg7[%run_scoped3A_50, %dma_start3A_77] : memref<24x128xf32, #tpu.memory_space<vmem>> -> memref<1x128xf32, #tpu.memory_space<vmem>>
      %dma_start3A_79 = tpu.memref_squeeze %dma_start3A_78 : memref<1x128xf32, #tpu.memory_space<vmem>> -> memref<128xf32, #tpu.memory_space<vmem>>
      %dma_start3A_80 = arith.constant 0 : i32
      %dma_start3A_81 = tpu.memref_slice %arg6[%run_scoped3A_51, %dma_start3A_80] : memref<24x128xi32, #tpu.memory_space<vmem>> -> memref<1x128xi32, #tpu.memory_space<vmem>>
      %dma_start3A_82 = tpu.memref_squeeze %dma_start3A_81 : memref<1x128xi32, #tpu.memory_space<vmem>> -> memref<128xi32, #tpu.memory_space<vmem>>
      %dma_start3A_83 = arith.constant 0 : i32
      %dma_start3A_84 = tpu.memref_slice %arg8[%dma_start3A_83] : memref<1048576xf32, #tpu.memory_space<vmem_shared>> -> memref<1048576xf32, #tpu.memory_space<vmem_shared>>
      tpu.enqueue_indirect_dma source(%dma_start3A_79 : memref<128xf32, #tpu.memory_space<vmem>>) target(%dma_start3A_84 : memref<1048576xf32, #tpu.memory_space<vmem_shared>>) offsets(%dma_start3A_82 : memref<128xi32, #tpu.memory_space<vmem>>) semaphore(%run_scoped3A_76 : memref<!tpu.dma_semaphore, #tpu.memory_space<semaphore_mem>>) {add = true}
      %dma_wait3A_85 = arith.constant 0 : i32
      %dma_wait3A_86 = tpu.memref_slice %arg7[%run_scoped3A_50, %dma_wait3A_85] : memref<24x128xf32, #tpu.memory_space<vmem>> -> memref<1x128xf32, #tpu.memory_space<vmem>>
      %dma_wait3A_87 = tpu.memref_squeeze %dma_wait3A_86 : memref<1x128xf32, #tpu.memory_space<vmem>> -> memref<128xf32, #tpu.memory_space<vmem>>
      %dma_wait3A_88 = arith.constant 0 : i32
      %dma_wait3A_89 = tpu.memref_slice %arg6[%run_scoped3A_51, %dma_wait3A_88] : memref<24x128xi32, #tpu.memory_space<vmem>> -> memref<1x128xi32, #tpu.memory_space<vmem>>
      %dma_wait3A_90 = tpu.memref_squeeze %dma_wait3A_89 : memref<1x128xi32, #tpu.memory_space<vmem>> -> memref<128xi32, #tpu.memory_space<vmem>>
      %dma_wait3A_91 = arith.constant 0 : i32
      %dma_wait3A_92 = tpu.memref_slice %arg8[%dma_wait3A_91] : memref<1048576xf32, #tpu.memory_space<vmem_shared>> -> memref<1048576xf32, #tpu.memory_space<vmem_shared>>
      tpu.wait_indirect_dma semaphore(%run_scoped3A_76 : memref<!tpu.dma_semaphore, #tpu.memory_space<semaphore_mem>>) src(%dma_wait3A_87 : memref<128xf32, #tpu.memory_space<vmem>>) dst(%dma_wait3A_92 : memref<1048576xf32, #tpu.memory_space<vmem_shared>>)
      tpu.yield
    }) : () -> ()
    %run_scoped3A_52 = arith.constant 14 : i32
    %run_scoped3A_53 = arith.constant 14 : i32
    "tpu.region"() ({
      %run_scoped3A_76 = tpu.sem_alloc : memref<!tpu.dma_semaphore, #tpu.memory_space<semaphore_mem>>
      %dma_start3A_77 = arith.constant 0 : i32
      %dma_start3A_78 = tpu.memref_slice %arg7[%run_scoped3A_52, %dma_start3A_77] : memref<24x128xf32, #tpu.memory_space<vmem>> -> memref<1x128xf32, #tpu.memory_space<vmem>>
      %dma_start3A_79 = tpu.memref_squeeze %dma_start3A_78 : memref<1x128xf32, #tpu.memory_space<vmem>> -> memref<128xf32, #tpu.memory_space<vmem>>
      %dma_start3A_80 = arith.constant 0 : i32
      %dma_start3A_81 = tpu.memref_slice %arg6[%run_scoped3A_53, %dma_start3A_80] : memref<24x128xi32, #tpu.memory_space<vmem>> -> memref<1x128xi32, #tpu.memory_space<vmem>>
      %dma_start3A_82 = tpu.memref_squeeze %dma_start3A_81 : memref<1x128xi32, #tpu.memory_space<vmem>> -> memref<128xi32, #tpu.memory_space<vmem>>
      %dma_start3A_83 = arith.constant 0 : i32
      %dma_start3A_84 = tpu.memref_slice %arg8[%dma_start3A_83] : memref<1048576xf32, #tpu.memory_space<vmem_shared>> -> memref<1048576xf32, #tpu.memory_space<vmem_shared>>
      tpu.enqueue_indirect_dma source(%dma_start3A_79 : memref<128xf32, #tpu.memory_space<vmem>>) target(%dma_start3A_84 : memref<1048576xf32, #tpu.memory_space<vmem_shared>>) offsets(%dma_start3A_82 : memref<128xi32, #tpu.memory_space<vmem>>) semaphore(%run_scoped3A_76 : memref<!tpu.dma_semaphore, #tpu.memory_space<semaphore_mem>>) {add = true}
      %dma_wait3A_85 = arith.constant 0 : i32
      %dma_wait3A_86 = tpu.memref_slice %arg7[%run_scoped3A_52, %dma_wait3A_85] : memref<24x128xf32, #tpu.memory_space<vmem>> -> memref<1x128xf32, #tpu.memory_space<vmem>>
      %dma_wait3A_87 = tpu.memref_squeeze %dma_wait3A_86 : memref<1x128xf32, #tpu.memory_space<vmem>> -> memref<128xf32, #tpu.memory_space<vmem>>
      %dma_wait3A_88 = arith.constant 0 : i32
      %dma_wait3A_89 = tpu.memref_slice %arg6[%run_scoped3A_53, %dma_wait3A_88] : memref<24x128xi32, #tpu.memory_space<vmem>> -> memref<1x128xi32, #tpu.memory_space<vmem>>
      %dma_wait3A_90 = tpu.memref_squeeze %dma_wait3A_89 : memref<1x128xi32, #tpu.memory_space<vmem>> -> memref<128xi32, #tpu.memory_space<vmem>>
      %dma_wait3A_91 = arith.constant 0 : i32
      %dma_wait3A_92 = tpu.memref_slice %arg8[%dma_wait3A_91] : memref<1048576xf32, #tpu.memory_space<vmem_shared>> -> memref<1048576xf32, #tpu.memory_space<vmem_shared>>
      tpu.wait_indirect_dma semaphore(%run_scoped3A_76 : memref<!tpu.dma_semaphore, #tpu.memory_space<semaphore_mem>>) src(%dma_wait3A_87 : memref<128xf32, #tpu.memory_space<vmem>>) dst(%dma_wait3A_92 : memref<1048576xf32, #tpu.memory_space<vmem_shared>>)
      tpu.yield
    }) : () -> ()
    %run_scoped3A_54 = arith.constant 15 : i32
    %run_scoped3A_55 = arith.constant 15 : i32
    "tpu.region"() ({
      %run_scoped3A_76 = tpu.sem_alloc : memref<!tpu.dma_semaphore, #tpu.memory_space<semaphore_mem>>
      %dma_start3A_77 = arith.constant 0 : i32
      %dma_start3A_78 = tpu.memref_slice %arg7[%run_scoped3A_54, %dma_start3A_77] : memref<24x128xf32, #tpu.memory_space<vmem>> -> memref<1x128xf32, #tpu.memory_space<vmem>>
      %dma_start3A_79 = tpu.memref_squeeze %dma_start3A_78 : memref<1x128xf32, #tpu.memory_space<vmem>> -> memref<128xf32, #tpu.memory_space<vmem>>
      %dma_start3A_80 = arith.constant 0 : i32
      %dma_start3A_81 = tpu.memref_slice %arg6[%run_scoped3A_55, %dma_start3A_80] : memref<24x128xi32, #tpu.memory_space<vmem>> -> memref<1x128xi32, #tpu.memory_space<vmem>>
      %dma_start3A_82 = tpu.memref_squeeze %dma_start3A_81 : memref<1x128xi32, #tpu.memory_space<vmem>> -> memref<128xi32, #tpu.memory_space<vmem>>
      %dma_start3A_83 = arith.constant 0 : i32
      %dma_start3A_84 = tpu.memref_slice %arg8[%dma_start3A_83] : memref<1048576xf32, #tpu.memory_space<vmem_shared>> -> memref<1048576xf32, #tpu.memory_space<vmem_shared>>
      tpu.enqueue_indirect_dma source(%dma_start3A_79 : memref<128xf32, #tpu.memory_space<vmem>>) target(%dma_start3A_84 : memref<1048576xf32, #tpu.memory_space<vmem_shared>>) offsets(%dma_start3A_82 : memref<128xi32, #tpu.memory_space<vmem>>) semaphore(%run_scoped3A_76 : memref<!tpu.dma_semaphore, #tpu.memory_space<semaphore_mem>>) {add = true}
      %dma_wait3A_85 = arith.constant 0 : i32
      %dma_wait3A_86 = tpu.memref_slice %arg7[%run_scoped3A_54, %dma_wait3A_85] : memref<24x128xf32, #tpu.memory_space<vmem>> -> memref<1x128xf32, #tpu.memory_space<vmem>>
      %dma_wait3A_87 = tpu.memref_squeeze %dma_wait3A_86 : memref<1x128xf32, #tpu.memory_space<vmem>> -> memref<128xf32, #tpu.memory_space<vmem>>
      %dma_wait3A_88 = arith.constant 0 : i32
      %dma_wait3A_89 = tpu.memref_slice %arg6[%run_scoped3A_55, %dma_wait3A_88] : memref<24x128xi32, #tpu.memory_space<vmem>> -> memref<1x128xi32, #tpu.memory_space<vmem>>
      %dma_wait3A_90 = tpu.memref_squeeze %dma_wait3A_89 : memref<1x128xi32, #tpu.memory_space<vmem>> -> memref<128xi32, #tpu.memory_space<vmem>>
      %dma_wait3A_91 = arith.constant 0 : i32
      %dma_wait3A_92 = tpu.memref_slice %arg8[%dma_wait3A_91] : memref<1048576xf32, #tpu.memory_space<vmem_shared>> -> memref<1048576xf32, #tpu.memory_space<vmem_shared>>
      tpu.wait_indirect_dma semaphore(%run_scoped3A_76 : memref<!tpu.dma_semaphore, #tpu.memory_space<semaphore_mem>>) src(%dma_wait3A_87 : memref<128xf32, #tpu.memory_space<vmem>>) dst(%dma_wait3A_92 : memref<1048576xf32, #tpu.memory_space<vmem_shared>>)
      tpu.yield
    }) : () -> ()
    %run_scoped3A_56 = arith.constant 16 : i32
    %run_scoped3A_57 = arith.constant 16 : i32
    "tpu.region"() ({
      %run_scoped3A_76 = tpu.sem_alloc : memref<!tpu.dma_semaphore, #tpu.memory_space<semaphore_mem>>
      %dma_start3A_77 = arith.constant 0 : i32
      %dma_start3A_78 = tpu.memref_slice %arg7[%run_scoped3A_56, %dma_start3A_77] : memref<24x128xf32, #tpu.memory_space<vmem>> -> memref<1x128xf32, #tpu.memory_space<vmem>>
      %dma_start3A_79 = tpu.memref_squeeze %dma_start3A_78 : memref<1x128xf32, #tpu.memory_space<vmem>> -> memref<128xf32, #tpu.memory_space<vmem>>
      %dma_start3A_80 = arith.constant 0 : i32
      %dma_start3A_81 = tpu.memref_slice %arg6[%run_scoped3A_57, %dma_start3A_80] : memref<24x128xi32, #tpu.memory_space<vmem>> -> memref<1x128xi32, #tpu.memory_space<vmem>>
      %dma_start3A_82 = tpu.memref_squeeze %dma_start3A_81 : memref<1x128xi32, #tpu.memory_space<vmem>> -> memref<128xi32, #tpu.memory_space<vmem>>
      %dma_start3A_83 = arith.constant 0 : i32
      %dma_start3A_84 = tpu.memref_slice %arg8[%dma_start3A_83] : memref<1048576xf32, #tpu.memory_space<vmem_shared>> -> memref<1048576xf32, #tpu.memory_space<vmem_shared>>
      tpu.enqueue_indirect_dma source(%dma_start3A_79 : memref<128xf32, #tpu.memory_space<vmem>>) target(%dma_start3A_84 : memref<1048576xf32, #tpu.memory_space<vmem_shared>>) offsets(%dma_start3A_82 : memref<128xi32, #tpu.memory_space<vmem>>) semaphore(%run_scoped3A_76 : memref<!tpu.dma_semaphore, #tpu.memory_space<semaphore_mem>>) {add = true}
      %dma_wait3A_85 = arith.constant 0 : i32
      %dma_wait3A_86 = tpu.memref_slice %arg7[%run_scoped3A_56, %dma_wait3A_85] : memref<24x128xf32, #tpu.memory_space<vmem>> -> memref<1x128xf32, #tpu.memory_space<vmem>>
      %dma_wait3A_87 = tpu.memref_squeeze %dma_wait3A_86 : memref<1x128xf32, #tpu.memory_space<vmem>> -> memref<128xf32, #tpu.memory_space<vmem>>
      %dma_wait3A_88 = arith.constant 0 : i32
      %dma_wait3A_89 = tpu.memref_slice %arg6[%run_scoped3A_57, %dma_wait3A_88] : memref<24x128xi32, #tpu.memory_space<vmem>> -> memref<1x128xi32, #tpu.memory_space<vmem>>
      %dma_wait3A_90 = tpu.memref_squeeze %dma_wait3A_89 : memref<1x128xi32, #tpu.memory_space<vmem>> -> memref<128xi32, #tpu.memory_space<vmem>>
      %dma_wait3A_91 = arith.constant 0 : i32
      %dma_wait3A_92 = tpu.memref_slice %arg8[%dma_wait3A_91] : memref<1048576xf32, #tpu.memory_space<vmem_shared>> -> memref<1048576xf32, #tpu.memory_space<vmem_shared>>
      tpu.wait_indirect_dma semaphore(%run_scoped3A_76 : memref<!tpu.dma_semaphore, #tpu.memory_space<semaphore_mem>>) src(%dma_wait3A_87 : memref<128xf32, #tpu.memory_space<vmem>>) dst(%dma_wait3A_92 : memref<1048576xf32, #tpu.memory_space<vmem_shared>>)
      tpu.yield
    }) : () -> ()
    %run_scoped3A_58 = arith.constant 17 : i32
    %run_scoped3A_59 = arith.constant 17 : i32
    "tpu.region"() ({
      %run_scoped3A_76 = tpu.sem_alloc : memref<!tpu.dma_semaphore, #tpu.memory_space<semaphore_mem>>
      %dma_start3A_77 = arith.constant 0 : i32
      %dma_start3A_78 = tpu.memref_slice %arg7[%run_scoped3A_58, %dma_start3A_77] : memref<24x128xf32, #tpu.memory_space<vmem>> -> memref<1x128xf32, #tpu.memory_space<vmem>>
      %dma_start3A_79 = tpu.memref_squeeze %dma_start3A_78 : memref<1x128xf32, #tpu.memory_space<vmem>> -> memref<128xf32, #tpu.memory_space<vmem>>
      %dma_start3A_80 = arith.constant 0 : i32
      %dma_start3A_81 = tpu.memref_slice %arg6[%run_scoped3A_59, %dma_start3A_80] : memref<24x128xi32, #tpu.memory_space<vmem>> -> memref<1x128xi32, #tpu.memory_space<vmem>>
      %dma_start3A_82 = tpu.memref_squeeze %dma_start3A_81 : memref<1x128xi32, #tpu.memory_space<vmem>> -> memref<128xi32, #tpu.memory_space<vmem>>
      %dma_start3A_83 = arith.constant 0 : i32
      %dma_start3A_84 = tpu.memref_slice %arg8[%dma_start3A_83] : memref<1048576xf32, #tpu.memory_space<vmem_shared>> -> memref<1048576xf32, #tpu.memory_space<vmem_shared>>
      tpu.enqueue_indirect_dma source(%dma_start3A_79 : memref<128xf32, #tpu.memory_space<vmem>>) target(%dma_start3A_84 : memref<1048576xf32, #tpu.memory_space<vmem_shared>>) offsets(%dma_start3A_82 : memref<128xi32, #tpu.memory_space<vmem>>) semaphore(%run_scoped3A_76 : memref<!tpu.dma_semaphore, #tpu.memory_space<semaphore_mem>>) {add = true}
      %dma_wait3A_85 = arith.constant 0 : i32
      %dma_wait3A_86 = tpu.memref_slice %arg7[%run_scoped3A_58, %dma_wait3A_85] : memref<24x128xf32, #tpu.memory_space<vmem>> -> memref<1x128xf32, #tpu.memory_space<vmem>>
      %dma_wait3A_87 = tpu.memref_squeeze %dma_wait3A_86 : memref<1x128xf32, #tpu.memory_space<vmem>> -> memref<128xf32, #tpu.memory_space<vmem>>
      %dma_wait3A_88 = arith.constant 0 : i32
      %dma_wait3A_89 = tpu.memref_slice %arg6[%run_scoped3A_59, %dma_wait3A_88] : memref<24x128xi32, #tpu.memory_space<vmem>> -> memref<1x128xi32, #tpu.memory_space<vmem>>
      %dma_wait3A_90 = tpu.memref_squeeze %dma_wait3A_89 : memref<1x128xi32, #tpu.memory_space<vmem>> -> memref<128xi32, #tpu.memory_space<vmem>>
      %dma_wait3A_91 = arith.constant 0 : i32
      %dma_wait3A_92 = tpu.memref_slice %arg8[%dma_wait3A_91] : memref<1048576xf32, #tpu.memory_space<vmem_shared>> -> memref<1048576xf32, #tpu.memory_space<vmem_shared>>
      tpu.wait_indirect_dma semaphore(%run_scoped3A_76 : memref<!tpu.dma_semaphore, #tpu.memory_space<semaphore_mem>>) src(%dma_wait3A_87 : memref<128xf32, #tpu.memory_space<vmem>>) dst(%dma_wait3A_92 : memref<1048576xf32, #tpu.memory_space<vmem_shared>>)
      tpu.yield
    }) : () -> ()
    %run_scoped3A_60 = arith.constant 18 : i32
    %run_scoped3A_61 = arith.constant 18 : i32
    "tpu.region"() ({
      %run_scoped3A_76 = tpu.sem_alloc : memref<!tpu.dma_semaphore, #tpu.memory_space<semaphore_mem>>
      %dma_start3A_77 = arith.constant 0 : i32
      %dma_start3A_78 = tpu.memref_slice %arg7[%run_scoped3A_60, %dma_start3A_77] : memref<24x128xf32, #tpu.memory_space<vmem>> -> memref<1x128xf32, #tpu.memory_space<vmem>>
      %dma_start3A_79 = tpu.memref_squeeze %dma_start3A_78 : memref<1x128xf32, #tpu.memory_space<vmem>> -> memref<128xf32, #tpu.memory_space<vmem>>
      %dma_start3A_80 = arith.constant 0 : i32
      %dma_start3A_81 = tpu.memref_slice %arg6[%run_scoped3A_61, %dma_start3A_80] : memref<24x128xi32, #tpu.memory_space<vmem>> -> memref<1x128xi32, #tpu.memory_space<vmem>>
      %dma_start3A_82 = tpu.memref_squeeze %dma_start3A_81 : memref<1x128xi32, #tpu.memory_space<vmem>> -> memref<128xi32, #tpu.memory_space<vmem>>
      %dma_start3A_83 = arith.constant 0 : i32
      %dma_start3A_84 = tpu.memref_slice %arg8[%dma_start3A_83] : memref<1048576xf32, #tpu.memory_space<vmem_shared>> -> memref<1048576xf32, #tpu.memory_space<vmem_shared>>
      tpu.enqueue_indirect_dma source(%dma_start3A_79 : memref<128xf32, #tpu.memory_space<vmem>>) target(%dma_start3A_84 : memref<1048576xf32, #tpu.memory_space<vmem_shared>>) offsets(%dma_start3A_82 : memref<128xi32, #tpu.memory_space<vmem>>) semaphore(%run_scoped3A_76 : memref<!tpu.dma_semaphore, #tpu.memory_space<semaphore_mem>>) {add = true}
      %dma_wait3A_85 = arith.constant 0 : i32
      %dma_wait3A_86 = tpu.memref_slice %arg7[%run_scoped3A_60, %dma_wait3A_85] : memref<24x128xf32, #tpu.memory_space<vmem>> -> memref<1x128xf32, #tpu.memory_space<vmem>>
      %dma_wait3A_87 = tpu.memref_squeeze %dma_wait3A_86 : memref<1x128xf32, #tpu.memory_space<vmem>> -> memref<128xf32, #tpu.memory_space<vmem>>
      %dma_wait3A_88 = arith.constant 0 : i32
      %dma_wait3A_89 = tpu.memref_slice %arg6[%run_scoped3A_61, %dma_wait3A_88] : memref<24x128xi32, #tpu.memory_space<vmem>> -> memref<1x128xi32, #tpu.memory_space<vmem>>
      %dma_wait3A_90 = tpu.memref_squeeze %dma_wait3A_89 : memref<1x128xi32, #tpu.memory_space<vmem>> -> memref<128xi32, #tpu.memory_space<vmem>>
      %dma_wait3A_91 = arith.constant 0 : i32
      %dma_wait3A_92 = tpu.memref_slice %arg8[%dma_wait3A_91] : memref<1048576xf32, #tpu.memory_space<vmem_shared>> -> memref<1048576xf32, #tpu.memory_space<vmem_shared>>
      tpu.wait_indirect_dma semaphore(%run_scoped3A_76 : memref<!tpu.dma_semaphore, #tpu.memory_space<semaphore_mem>>) src(%dma_wait3A_87 : memref<128xf32, #tpu.memory_space<vmem>>) dst(%dma_wait3A_92 : memref<1048576xf32, #tpu.memory_space<vmem_shared>>)
      tpu.yield
    }) : () -> ()
    %run_scoped3A_62 = arith.constant 19 : i32
    %run_scoped3A_63 = arith.constant 19 : i32
    "tpu.region"() ({
      %run_scoped3A_76 = tpu.sem_alloc : memref<!tpu.dma_semaphore, #tpu.memory_space<semaphore_mem>>
      %dma_start3A_77 = arith.constant 0 : i32
      %dma_start3A_78 = tpu.memref_slice %arg7[%run_scoped3A_62, %dma_start3A_77] : memref<24x128xf32, #tpu.memory_space<vmem>> -> memref<1x128xf32, #tpu.memory_space<vmem>>
      %dma_start3A_79 = tpu.memref_squeeze %dma_start3A_78 : memref<1x128xf32, #tpu.memory_space<vmem>> -> memref<128xf32, #tpu.memory_space<vmem>>
      %dma_start3A_80 = arith.constant 0 : i32
      %dma_start3A_81 = tpu.memref_slice %arg6[%run_scoped3A_63, %dma_start3A_80] : memref<24x128xi32, #tpu.memory_space<vmem>> -> memref<1x128xi32, #tpu.memory_space<vmem>>
      %dma_start3A_82 = tpu.memref_squeeze %dma_start3A_81 : memref<1x128xi32, #tpu.memory_space<vmem>> -> memref<128xi32, #tpu.memory_space<vmem>>
      %dma_start3A_83 = arith.constant 0 : i32
      %dma_start3A_84 = tpu.memref_slice %arg8[%dma_start3A_83] : memref<1048576xf32, #tpu.memory_space<vmem_shared>> -> memref<1048576xf32, #tpu.memory_space<vmem_shared>>
      tpu.enqueue_indirect_dma source(%dma_start3A_79 : memref<128xf32, #tpu.memory_space<vmem>>) target(%dma_start3A_84 : memref<1048576xf32, #tpu.memory_space<vmem_shared>>) offsets(%dma_start3A_82 : memref<128xi32, #tpu.memory_space<vmem>>) semaphore(%run_scoped3A_76 : memref<!tpu.dma_semaphore, #tpu.memory_space<semaphore_mem>>) {add = true}
      %dma_wait3A_85 = arith.constant 0 : i32
      %dma_wait3A_86 = tpu.memref_slice %arg7[%run_scoped3A_62, %dma_wait3A_85] : memref<24x128xf32, #tpu.memory_space<vmem>> -> memref<1x128xf32, #tpu.memory_space<vmem>>
      %dma_wait3A_87 = tpu.memref_squeeze %dma_wait3A_86 : memref<1x128xf32, #tpu.memory_space<vmem>> -> memref<128xf32, #tpu.memory_space<vmem>>
      %dma_wait3A_88 = arith.constant 0 : i32
      %dma_wait3A_89 = tpu.memref_slice %arg6[%run_scoped3A_63, %dma_wait3A_88] : memref<24x128xi32, #tpu.memory_space<vmem>> -> memref<1x128xi32, #tpu.memory_space<vmem>>
      %dma_wait3A_90 = tpu.memref_squeeze %dma_wait3A_89 : memref<1x128xi32, #tpu.memory_space<vmem>> -> memref<128xi32, #tpu.memory_space<vmem>>
      %dma_wait3A_91 = arith.constant 0 : i32
      %dma_wait3A_92 = tpu.memref_slice %arg8[%dma_wait3A_91] : memref<1048576xf32, #tpu.memory_space<vmem_shared>> -> memref<1048576xf32, #tpu.memory_space<vmem_shared>>
      tpu.wait_indirect_dma semaphore(%run_scoped3A_76 : memref<!tpu.dma_semaphore, #tpu.memory_space<semaphore_mem>>) src(%dma_wait3A_87 : memref<128xf32, #tpu.memory_space<vmem>>) dst(%dma_wait3A_92 : memref<1048576xf32, #tpu.memory_space<vmem_shared>>)
      tpu.yield
    }) : () -> ()
    %run_scoped3A_64 = arith.constant 20 : i32
    %run_scoped3A_65 = arith.constant 20 : i32
    "tpu.region"() ({
      %run_scoped3A_76 = tpu.sem_alloc : memref<!tpu.dma_semaphore, #tpu.memory_space<semaphore_mem>>
      %dma_start3A_77 = arith.constant 0 : i32
      %dma_start3A_78 = tpu.memref_slice %arg7[%run_scoped3A_64, %dma_start3A_77] : memref<24x128xf32, #tpu.memory_space<vmem>> -> memref<1x128xf32, #tpu.memory_space<vmem>>
      %dma_start3A_79 = tpu.memref_squeeze %dma_start3A_78 : memref<1x128xf32, #tpu.memory_space<vmem>> -> memref<128xf32, #tpu.memory_space<vmem>>
      %dma_start3A_80 = arith.constant 0 : i32
      %dma_start3A_81 = tpu.memref_slice %arg6[%run_scoped3A_65, %dma_start3A_80] : memref<24x128xi32, #tpu.memory_space<vmem>> -> memref<1x128xi32, #tpu.memory_space<vmem>>
      %dma_start3A_82 = tpu.memref_squeeze %dma_start3A_81 : memref<1x128xi32, #tpu.memory_space<vmem>> -> memref<128xi32, #tpu.memory_space<vmem>>
      %dma_start3A_83 = arith.constant 0 : i32
      %dma_start3A_84 = tpu.memref_slice %arg8[%dma_start3A_83] : memref<1048576xf32, #tpu.memory_space<vmem_shared>> -> memref<1048576xf32, #tpu.memory_space<vmem_shared>>
      tpu.enqueue_indirect_dma source(%dma_start3A_79 : memref<128xf32, #tpu.memory_space<vmem>>) target(%dma_start3A_84 : memref<1048576xf32, #tpu.memory_space<vmem_shared>>) offsets(%dma_start3A_82 : memref<128xi32, #tpu.memory_space<vmem>>) semaphore(%run_scoped3A_76 : memref<!tpu.dma_semaphore, #tpu.memory_space<semaphore_mem>>) {add = true}
      %dma_wait3A_85 = arith.constant 0 : i32
      %dma_wait3A_86 = tpu.memref_slice %arg7[%run_scoped3A_64, %dma_wait3A_85] : memref<24x128xf32, #tpu.memory_space<vmem>> -> memref<1x128xf32, #tpu.memory_space<vmem>>
      %dma_wait3A_87 = tpu.memref_squeeze %dma_wait3A_86 : memref<1x128xf32, #tpu.memory_space<vmem>> -> memref<128xf32, #tpu.memory_space<vmem>>
      %dma_wait3A_88 = arith.constant 0 : i32
      %dma_wait3A_89 = tpu.memref_slice %arg6[%run_scoped3A_65, %dma_wait3A_88] : memref<24x128xi32, #tpu.memory_space<vmem>> -> memref<1x128xi32, #tpu.memory_space<vmem>>
      %dma_wait3A_90 = tpu.memref_squeeze %dma_wait3A_89 : memref<1x128xi32, #tpu.memory_space<vmem>> -> memref<128xi32, #tpu.memory_space<vmem>>
      %dma_wait3A_91 = arith.constant 0 : i32
      %dma_wait3A_92 = tpu.memref_slice %arg8[%dma_wait3A_91] : memref<1048576xf32, #tpu.memory_space<vmem_shared>> -> memref<1048576xf32, #tpu.memory_space<vmem_shared>>
      tpu.wait_indirect_dma semaphore(%run_scoped3A_76 : memref<!tpu.dma_semaphore, #tpu.memory_space<semaphore_mem>>) src(%dma_wait3A_87 : memref<128xf32, #tpu.memory_space<vmem>>) dst(%dma_wait3A_92 : memref<1048576xf32, #tpu.memory_space<vmem_shared>>)
      tpu.yield
    }) : () -> ()
    %run_scoped3A_66 = arith.constant 21 : i32
    %run_scoped3A_67 = arith.constant 21 : i32
    "tpu.region"() ({
      %run_scoped3A_76 = tpu.sem_alloc : memref<!tpu.dma_semaphore, #tpu.memory_space<semaphore_mem>>
      %dma_start3A_77 = arith.constant 0 : i32
      %dma_start3A_78 = tpu.memref_slice %arg7[%run_scoped3A_66, %dma_start3A_77] : memref<24x128xf32, #tpu.memory_space<vmem>> -> memref<1x128xf32, #tpu.memory_space<vmem>>
      %dma_start3A_79 = tpu.memref_squeeze %dma_start3A_78 : memref<1x128xf32, #tpu.memory_space<vmem>> -> memref<128xf32, #tpu.memory_space<vmem>>
      %dma_start3A_80 = arith.constant 0 : i32
      %dma_start3A_81 = tpu.memref_slice %arg6[%run_scoped3A_67, %dma_start3A_80] : memref<24x128xi32, #tpu.memory_space<vmem>> -> memref<1x128xi32, #tpu.memory_space<vmem>>
      %dma_start3A_82 = tpu.memref_squeeze %dma_start3A_81 : memref<1x128xi32, #tpu.memory_space<vmem>> -> memref<128xi32, #tpu.memory_space<vmem>>
      %dma_start3A_83 = arith.constant 0 : i32
      %dma_start3A_84 = tpu.memref_slice %arg8[%dma_start3A_83] : memref<1048576xf32, #tpu.memory_space<vmem_shared>> -> memref<1048576xf32, #tpu.memory_space<vmem_shared>>
      tpu.enqueue_indirect_dma source(%dma_start3A_79 : memref<128xf32, #tpu.memory_space<vmem>>) target(%dma_start3A_84 : memref<1048576xf32, #tpu.memory_space<vmem_shared>>) offsets(%dma_start3A_82 : memref<128xi32, #tpu.memory_space<vmem>>) semaphore(%run_scoped3A_76 : memref<!tpu.dma_semaphore, #tpu.memory_space<semaphore_mem>>) {add = true}
      %dma_wait3A_85 = arith.constant 0 : i32
      %dma_wait3A_86 = tpu.memref_slice %arg7[%run_scoped3A_66, %dma_wait3A_85] : memref<24x128xf32, #tpu.memory_space<vmem>> -> memref<1x128xf32, #tpu.memory_space<vmem>>
      %dma_wait3A_87 = tpu.memref_squeeze %dma_wait3A_86 : memref<1x128xf32, #tpu.memory_space<vmem>> -> memref<128xf32, #tpu.memory_space<vmem>>
      %dma_wait3A_88 = arith.constant 0 : i32
      %dma_wait3A_89 = tpu.memref_slice %arg6[%run_scoped3A_67, %dma_wait3A_88] : memref<24x128xi32, #tpu.memory_space<vmem>> -> memref<1x128xi32, #tpu.memory_space<vmem>>
      %dma_wait3A_90 = tpu.memref_squeeze %dma_wait3A_89 : memref<1x128xi32, #tpu.memory_space<vmem>> -> memref<128xi32, #tpu.memory_space<vmem>>
      %dma_wait3A_91 = arith.constant 0 : i32
      %dma_wait3A_92 = tpu.memref_slice %arg8[%dma_wait3A_91] : memref<1048576xf32, #tpu.memory_space<vmem_shared>> -> memref<1048576xf32, #tpu.memory_space<vmem_shared>>
      tpu.wait_indirect_dma semaphore(%run_scoped3A_76 : memref<!tpu.dma_semaphore, #tpu.memory_space<semaphore_mem>>) src(%dma_wait3A_87 : memref<128xf32, #tpu.memory_space<vmem>>) dst(%dma_wait3A_92 : memref<1048576xf32, #tpu.memory_space<vmem_shared>>)
      tpu.yield
    }) : () -> ()
    %run_scoped3A_68 = arith.constant 22 : i32
    %run_scoped3A_69 = arith.constant 22 : i32
    "tpu.region"() ({
      %run_scoped3A_76 = tpu.sem_alloc : memref<!tpu.dma_semaphore, #tpu.memory_space<semaphore_mem>>
      %dma_start3A_77 = arith.constant 0 : i32
      %dma_start3A_78 = tpu.memref_slice %arg7[%run_scoped3A_68, %dma_start3A_77] : memref<24x128xf32, #tpu.memory_space<vmem>> -> memref<1x128xf32, #tpu.memory_space<vmem>>
      %dma_start3A_79 = tpu.memref_squeeze %dma_start3A_78 : memref<1x128xf32, #tpu.memory_space<vmem>> -> memref<128xf32, #tpu.memory_space<vmem>>
      %dma_start3A_80 = arith.constant 0 : i32
      %dma_start3A_81 = tpu.memref_slice %arg6[%run_scoped3A_69, %dma_start3A_80] : memref<24x128xi32, #tpu.memory_space<vmem>> -> memref<1x128xi32, #tpu.memory_space<vmem>>
      %dma_start3A_82 = tpu.memref_squeeze %dma_start3A_81 : memref<1x128xi32, #tpu.memory_space<vmem>> -> memref<128xi32, #tpu.memory_space<vmem>>
      %dma_start3A_83 = arith.constant 0 : i32
      %dma_start3A_84 = tpu.memref_slice %arg8[%dma_start3A_83] : memref<1048576xf32, #tpu.memory_space<vmem_shared>> -> memref<1048576xf32, #tpu.memory_space<vmem_shared>>
      tpu.enqueue_indirect_dma source(%dma_start3A_79 : memref<128xf32, #tpu.memory_space<vmem>>) target(%dma_start3A_84 : memref<1048576xf32, #tpu.memory_space<vmem_shared>>) offsets(%dma_start3A_82 : memref<128xi32, #tpu.memory_space<vmem>>) semaphore(%run_scoped3A_76 : memref<!tpu.dma_semaphore, #tpu.memory_space<semaphore_mem>>) {add = true}
      %dma_wait3A_85 = arith.constant 0 : i32
      %dma_wait3A_86 = tpu.memref_slice %arg7[%run_scoped3A_68, %dma_wait3A_85] : memref<24x128xf32, #tpu.memory_space<vmem>> -> memref<1x128xf32, #tpu.memory_space<vmem>>
      %dma_wait3A_87 = tpu.memref_squeeze %dma_wait3A_86 : memref<1x128xf32, #tpu.memory_space<vmem>> -> memref<128xf32, #tpu.memory_space<vmem>>
      %dma_wait3A_88 = arith.constant 0 : i32
      %dma_wait3A_89 = tpu.memref_slice %arg6[%run_scoped3A_69, %dma_wait3A_88] : memref<24x128xi32, #tpu.memory_space<vmem>> -> memref<1x128xi32, #tpu.memory_space<vmem>>
      %dma_wait3A_90 = tpu.memref_squeeze %dma_wait3A_89 : memref<1x128xi32, #tpu.memory_space<vmem>> -> memref<128xi32, #tpu.memory_space<vmem>>
      %dma_wait3A_91 = arith.constant 0 : i32
      %dma_wait3A_92 = tpu.memref_slice %arg8[%dma_wait3A_91] : memref<1048576xf32, #tpu.memory_space<vmem_shared>> -> memref<1048576xf32, #tpu.memory_space<vmem_shared>>
      tpu.wait_indirect_dma semaphore(%run_scoped3A_76 : memref<!tpu.dma_semaphore, #tpu.memory_space<semaphore_mem>>) src(%dma_wait3A_87 : memref<128xf32, #tpu.memory_space<vmem>>) dst(%dma_wait3A_92 : memref<1048576xf32, #tpu.memory_space<vmem_shared>>)
      tpu.yield
    }) : () -> ()
    %run_scoped3A_70 = arith.constant 23 : i32
    %run_scoped3A_71 = arith.constant 23 : i32
    "tpu.region"() ({
      %run_scoped3A_76 = tpu.sem_alloc : memref<!tpu.dma_semaphore, #tpu.memory_space<semaphore_mem>>
      %dma_start3A_77 = arith.constant 0 : i32
      %dma_start3A_78 = tpu.memref_slice %arg7[%run_scoped3A_70, %dma_start3A_77] : memref<24x128xf32, #tpu.memory_space<vmem>> -> memref<1x128xf32, #tpu.memory_space<vmem>>
      %dma_start3A_79 = tpu.memref_squeeze %dma_start3A_78 : memref<1x128xf32, #tpu.memory_space<vmem>> -> memref<128xf32, #tpu.memory_space<vmem>>
      %dma_start3A_80 = arith.constant 0 : i32
      %dma_start3A_81 = tpu.memref_slice %arg6[%run_scoped3A_71, %dma_start3A_80] : memref<24x128xi32, #tpu.memory_space<vmem>> -> memref<1x128xi32, #tpu.memory_space<vmem>>
      %dma_start3A_82 = tpu.memref_squeeze %dma_start3A_81 : memref<1x128xi32, #tpu.memory_space<vmem>> -> memref<128xi32, #tpu.memory_space<vmem>>
      %dma_start3A_83 = arith.constant 0 : i32
      %dma_start3A_84 = tpu.memref_slice %arg8[%dma_start3A_83] : memref<1048576xf32, #tpu.memory_space<vmem_shared>> -> memref<1048576xf32, #tpu.memory_space<vmem_shared>>
      tpu.enqueue_indirect_dma source(%dma_start3A_79 : memref<128xf32, #tpu.memory_space<vmem>>) target(%dma_start3A_84 : memref<1048576xf32, #tpu.memory_space<vmem_shared>>) offsets(%dma_start3A_82 : memref<128xi32, #tpu.memory_space<vmem>>) semaphore(%run_scoped3A_76 : memref<!tpu.dma_semaphore, #tpu.memory_space<semaphore_mem>>) {add = true}
      %dma_wait3A_85 = arith.constant 0 : i32
      %dma_wait3A_86 = tpu.memref_slice %arg7[%run_scoped3A_70, %dma_wait3A_85] : memref<24x128xf32, #tpu.memory_space<vmem>> -> memref<1x128xf32, #tpu.memory_space<vmem>>
      %dma_wait3A_87 = tpu.memref_squeeze %dma_wait3A_86 : memref<1x128xf32, #tpu.memory_space<vmem>> -> memref<128xf32, #tpu.memory_space<vmem>>
      %dma_wait3A_88 = arith.constant 0 : i32
      %dma_wait3A_89 = tpu.memref_slice %arg6[%run_scoped3A_71, %dma_wait3A_88] : memref<24x128xi32, #tpu.memory_space<vmem>> -> memref<1x128xi32, #tpu.memory_space<vmem>>
      %dma_wait3A_90 = tpu.memref_squeeze %dma_wait3A_89 : memref<1x128xi32, #tpu.memory_space<vmem>> -> memref<128xi32, #tpu.memory_space<vmem>>
      %dma_wait3A_91 = arith.constant 0 : i32
      %dma_wait3A_92 = tpu.memref_slice %arg8[%dma_wait3A_91] : memref<1048576xf32, #tpu.memory_space<vmem_shared>> -> memref<1048576xf32, #tpu.memory_space<vmem_shared>>
      tpu.wait_indirect_dma semaphore(%run_scoped3A_76 : memref<!tpu.dma_semaphore, #tpu.memory_space<semaphore_mem>>) src(%dma_wait3A_87 : memref<128xf32, #tpu.memory_space<vmem>>) dst(%dma_wait3A_92 : memref<1048576xf32, #tpu.memory_space<vmem_shared>>)
      tpu.yield
    }) : () -> ()
    %barrier3A_72 = arith.constant 0 : index
    tpu.barrier barrier_id(%barrier3A_72)
    %mul3A_73 = arith.constant 1048576 : i32
    %mul3A_74 = arith.muli %arg0, %mul3A_73 : i32
    %add3A_75 = arith.addi %mul3A_74, %mul3A_2 : i32
    "tpu.region"() ({
      %run_scoped3A_76 = tpu.sem_alloc : memref<!tpu.dma_semaphore, #tpu.memory_space<semaphore_mem>>
      %dma_start3A_77 = tpu.memref_slice %arg5[%add3A_75] : memref<2097152xf32, #tpu.memory_space<hbm>> -> memref<65536xf32, #tpu.memory_space<hbm>>
      %dma_start3A_78 = tpu.memref_slice %arg8[%mul3A_2] : memref<1048576xf32, #tpu.memory_space<vmem_shared>> -> memref<65536xf32, #tpu.memory_space<vmem_shared>>
      tpu.enqueue_dma source(%dma_start3A_78 : memref<65536xf32, #tpu.memory_space<vmem_shared>>) target(%dma_start3A_77 : memref<65536xf32, #tpu.memory_space<hbm>>) target_semaphore(%run_scoped3A_76 : memref<!tpu.dma_semaphore, #tpu.memory_space<semaphore_mem>>)
      %dma_wait3A_79 = tpu.memref_slice %arg5[%add3A_75] : memref<2097152xf32, #tpu.memory_space<hbm>> -> memref<65536xf32, #tpu.memory_space<hbm>>
      %dma_wait3A_80 = tpu.memref_slice %arg8[%mul3A_2] : memref<1048576xf32, #tpu.memory_space<vmem_shared>> -> memref<65536xf32, #tpu.memory_space<vmem_shared>>
      tpu.wait_dma2 semaphore(%run_scoped3A_76 : memref<!tpu.dma_semaphore, #tpu.memory_space<semaphore_mem>>) src(%dma_wait3A_80 : memref<65536xf32, #tpu.memory_space<vmem_shared>>) dst(%dma_wait3A_79 : memref<65536xf32, #tpu.memory_space<hbm>>)
      tpu.yield
    }) : () -> ()
    return
  }
}

module attributes {stable_mosaic.version = 14 : i64} {
  func.func @_prep_body(%arg0: i32, %arg1: memref<8192x10xf32, #tpu.memory_space<vmem>>, %arg2: memref<64x128xi32, #tpu.memory_space<vmem>>, %arg3: memref<64x128xi32, #tpu.memory_space<vmem>>, %arg4: memref<64x128xf32, #tpu.memory_space<vmem>>, %arg5: memref<64x128xi32, #tpu.memory_space<vmem>>) attributes {dimension_semantics = [#tpu.dimension_semantics<arbitrary>], iteration_bounds = array<i64: 12>, scalar_prefetch = 0 : i64, scratch_operands = 0 : i64, tpu.core_type = #tpu.core_type<tc>, window_params = [{transform_indices = @transform_0, window_bounds = array<i64: 8192, 10>}, {transform_indices = @transform_1, window_bounds = array<i64: 64, 128>}, {transform_indices = @transform_2, window_bounds = array<i64: 64, 128>}, {transform_indices = @transform_3, window_bounds = array<i64: 64, 128>}, {transform_indices = @transform_4, window_bounds = array<i64: 64, 128>}]} {
    %get3A = arith.constant 0 : index
    %get3A_0 = arith.constant 0 : index
    %get3A_1 = vector.load %arg1[%get3A, %get3A_0] : memref<8192x10xf32, #tpu.memory_space<vmem>>, vector<8192x10xf32>
    %reduce_sum3A = arith.constant dense<0.000000e+00> : vector<8192xf32>
    %reduce_sum3A_2 = vector.multi_reduction <add>, %get3A_1, %reduce_sum3A [1] : vector<8192x10xf32> to vector<8192xf32>
    %broadcast_in_dim3A = vector.shape_cast %reduce_sum3A_2 : vector<8192xf32> to vector<8192x1xf32>
    %mul3A = arith.constant 1.000000e-01 : f32
    %mul3A_3 = vector.broadcast %mul3A : f32 to vector<8192x1xf32>
    %mul3A_4 = arith.mulf %broadcast_in_dim3A, %mul3A_3 : vector<8192x1xf32>
    %reshape3A = vector.shape_cast %mul3A_4 : vector<8192x1xf32> to vector<64x128xf32>
    %iota3A = tpu.iota {dimensions = array<i32: 0>} : vector<64x128xi32>
    %iota3A_5 = tpu.iota {dimensions = array<i32: 1>} : vector<64x128xi32>
    %mul3A_6 = arith.constant 64 : i32
    %mul3A_7 = arith.muli %arg0, %mul3A_6 : i32
    %add3A = vector.broadcast %mul3A_7 : i32 to vector<64x128xi32>
    %add3A_8 = arith.addi %add3A, %iota3A : vector<64x128xi32>
    %mul3A_9 = arith.constant 128 : i32
    %mul3A_10 = vector.broadcast %mul3A_9 : i32 to vector<64x128xi32>
    %mul3A_11 = arith.muli %add3A_8, %mul3A_10 : vector<64x128xi32>
    %add3A_12 = arith.addi %mul3A_11, %iota3A_5 : vector<64x128xi32>
    %lt3A = arith.constant 80100 : i32
    %lt3A_13 = vector.broadcast %lt3A : i32 to vector<64x128xi32>
    %lt3A_14 = arith.cmpi slt, %add3A_12, %lt3A_13 : vector<64x128xi32>
    %jit3A = arith.constant 0.000000e+00 : f32
    %broadcast_in_dim3A_15 = vector.broadcast %jit3A : f32 to vector<64x128xf32>
    %select_n3A = arith.select %lt3A_14, %reshape3A, %broadcast_in_dim3A_15 : vector<64x128xi1>, vector<64x128xf32>
    %swap3A = arith.constant 0 : index
    %swap3A_16 = arith.constant 0 : index
    %swap3A_17 = vector.load %arg4[%swap3A, %swap3A_16] : memref<64x128xf32, #tpu.memory_space<vmem>>, vector<64x128xf32>
    tpu.vector_store %arg4[%swap3A, %swap3A_16], %select_n3A {strides = array<i32>} : memref<64x128xf32, #tpu.memory_space<vmem>>, vector<64x128xf32>,
    %get3A_18 = arith.constant 0 : index
    %get3A_19 = arith.constant 0 : index
    %get3A_20 = vector.load %arg3[%get3A_18, %get3A_19] : memref<64x128xi32, #tpu.memory_space<vmem>>, vector<64x128xi32>
    %mul3A_21 = arith.constant 1024 : i32
    %mul3A_22 = vector.broadcast %mul3A_21 : i32 to vector<64x128xi32>
    %mul3A_23 = arith.muli %get3A_20, %mul3A_22 : vector<64x128xi32>
    %get3A_24 = arith.constant 0 : index
    %get3A_25 = arith.constant 0 : index
    %get3A_26 = vector.load %arg2[%get3A_24, %get3A_25] : memref<64x128xi32, #tpu.memory_space<vmem>>, vector<64x128xi32>
    %add3A_27 = arith.addi %mul3A_23, %get3A_26 : vector<64x128xi32>
    %swap3A_28 = arith.constant 0 : index
    %swap3A_29 = arith.constant 0 : index
    %swap3A_30 = vector.load %arg5[%swap3A_28, %swap3A_29] : memref<64x128xi32, #tpu.memory_space<vmem>>, vector<64x128xi32>
    tpu.vector_store %arg5[%swap3A_28, %swap3A_29], %add3A_27 {strides = array<i32>} : memref<64x128xi32, #tpu.memory_space<vmem>>, vector<64x128xi32>,
    return
  }
  func.func @transform_0(%arg0: i32) -> (i32, i32) {
    %min3A = arith.constant 9 : i32
    %min3A_0 = arith.minsi %arg0, %min3A : i32
    %c0_i32 = arith.constant 0 : i32
    %c0_i32_1 = arith.constant 0 : i32
    return %min3A_0, %c0_i32 : i32, i32
  }
  func.func @transform_1(%arg0: i32) -> (i32, i32) {
    %c0_i32 = arith.constant 0 : i32
    %c0_i32_0 = arith.constant 0 : i32
    return %arg0, %c0_i32 : i32, i32
  }
  func.func @transform_2(%arg0: i32) -> (i32, i32) {
    %c0_i32 = arith.constant 0 : i32
    %c0_i32_0 = arith.constant 0 : i32
    return %arg0, %c0_i32 : i32, i32
  }
  func.func @transform_3(%arg0: i32) -> (i32, i32) {
    %c0_i32 = arith.constant 0 : i32
    %c0_i32_0 = arith.constant 0 : i32
    return %arg0, %c0_i32 : i32, i32
  }
  func.func @transform_4(%arg0: i32) -> (i32, i32) {
    %c0_i32 = arith.constant 0 : i32
    %c0_i32_0 = arith.constant 0 : i32
    return %arg0, %c0_i32 : i32, i32
  }
}

module attributes {stable_mosaic.version = 14 : i64} {
  func.func @_main_body(%arg0: memref<2048x1024xf32, #tpu.memory_space<vmem>>, %arg1: memref<900x115xf32, #tpu.memory_space<vmem>>, %arg2: memref<115x115xf32, #tpu.memory_space<vmem>>, %arg3: memref<115x115xf32, #tpu.memory_space<vmem>>, %arg4: memref<1x115xf32, #tpu.memory_space<vmem>>, %arg5: memref<1x115xf32, #tpu.memory_space<vmem>>, %arg6: memref<1x115xf32, #tpu.memory_space<vmem>>, %arg7: memref<1x115xf32, #tpu.memory_space<vmem>>, %arg8: memref<1x115xf32, #tpu.memory_space<vmem>>, %arg9: memref<1x115xf32, #tpu.memory_space<vmem>>, %arg10: memref<1x115xf32, #tpu.memory_space<vmem>>, %arg11: memref<115x231xf32, #tpu.memory_space<vmem>>, %arg12: memref<1x231xf32, #tpu.memory_space<vmem>>, %arg13: memref<231x1xf32, #tpu.memory_space<vmem>>, %arg14: memref<1x1xf32, #tpu.memory_space<vmem>>, %arg15: memref<10x1xf32, #tpu.memory_space<vmem>>, %arg16: memref<10x10xi32, #tpu.memory_space<vmem>>) attributes {dimension_semantics = [], scalar_prefetch = 0 : i64, scratch_operands = 0 : i64, tpu.core_type = #tpu.core_type<tc>} {
    %get3A = arith.constant 0 : index
    %get3A_0 = arith.constant 0 : index
    %get3A_1 = vector.load %arg0[%get3A, %get3A_0] : memref<2048x1024xf32, #tpu.memory_space<vmem>>, vector<1024x1024xf32>
    %get3A_2 = arith.constant 1024 : index
    %get3A_3 = arith.constant 0 : index
    %get3A_4 = vector.load %arg0[%get3A_2, %get3A_3] : memref<2048x1024xf32, #tpu.memory_space<vmem>>, vector<1024x1024xf32>
    %add3A = arith.addf %get3A_1, %get3A_4 : vector<1024x1024xf32>
    %iota3A = tpu.iota {dimensions = array<i32: 0>} : vector<1024x1xi32>
    %lt3A = arith.constant 900 : i32
    %lt3A_5 = vector.broadcast %lt3A : i32 to vector<1024x1xi32>
    %lt3A_6 = arith.cmpi slt, %iota3A, %lt3A_5 : vector<1024x1xi32>
    %get3A_7 = arith.constant 0 : index
    %get3A_8 = arith.constant 0 : index
    %get3A_9 = vector.load %arg1[%get3A_7, %get3A_8] : memref<900x115xf32, #tpu.memory_space<vmem>>, vector<900x115xf32>
    %jit3A = arith.constant 0 : i32
    %convert_element_type3A = arith.sitofp %jit3A : i32 to f32
    %pad3A = vector.broadcast %convert_element_type3A : f32 to vector<124x115xf32>
    %pad3A_10 = tpu.concatenate %get3A_9, %pad3A in 0 : vector<900x115xf32>, vector<124x115xf32> -> vector<1024x115xf32>
    %jit3A_11 = arith.constant 0.000000e+00 : f32
    %broadcast_in_dim3A = vector.shape_cast %lt3A_6 : vector<1024x1xi1> to vector<1024x1xi1>
    %broadcast_in_dim3A_12 = vector.broadcast %broadcast_in_dim3A : vector<1024x1xi1> to vector<1024x115xi1>
    %broadcast_in_dim3A_13 = vector.broadcast %jit3A_11 : f32 to vector<1024x115xf32>
    %select_n3A = arith.select %broadcast_in_dim3A_12, %pad3A_10, %broadcast_in_dim3A_13 : vector<1024x115xi1>, vector<1024x115xf32>
    %get3A_14 = arith.constant 0 : index
    %get3A_15 = arith.constant 0 : index
    %get3A_16 = vector.load %arg2[%get3A_14, %get3A_15] : memref<115x115xf32, #tpu.memory_space<vmem>>, vector<115x115xf32>
    %get3A_17 = arith.constant 0 : index
    %get3A_18 = arith.constant 0 : index
    %get3A_19 = vector.load %arg4[%get3A_17, %get3A_18] : memref<1x115xf32, #tpu.memory_space<vmem>>, vector<1x115xf32>
    %get3A_20 = arith.constant 0 : index
    %get3A_21 = arith.constant 0 : index
    %get3A_22 = vector.load %arg6[%get3A_20, %get3A_21] : memref<1x115xf32, #tpu.memory_space<vmem>>, vector<1x115xf32>
    %get3A_23 = arith.constant 0 : index
    %get3A_24 = arith.constant 0 : index
    %get3A_25 = vector.load %arg7[%get3A_23, %get3A_24] : memref<1x115xf32, #tpu.memory_space<vmem>>, vector<1x115xf32>
    %dot_general3A = arith.constant dense<0.000000e+00> : vector<1024x115xf32>
    %dot_general3A_26 = tpu.matmul %add3A, %select_n3A, %dot_general3A {dimension_numbers = #tpu.dot_dimension_numbers<[1], [0], [0], [1], [0, 0, 1, 1], [], []>, precision = #tpu.contract_precision<fp32>, transpose_lhs_hint = false} : vector<1024x1024xf32>, vector<1024x115xf32>, vector<1024x115xf32> -> vector<1024x115xf32>
    %add3A_27 = arith.addf %select_n3A, %dot_general3A_26 : vector<1024x115xf32>
    %dot_general3A_28 = arith.constant dense<0.000000e+00> : vector<1024x115xf32>
    %dot_general3A_29 = tpu.matmul %add3A_27, %get3A_16, %dot_general3A_28 {dimension_numbers = #tpu.dot_dimension_numbers<[1], [0], [0], [1], [0, 0, 1, 1], [], []>, transpose_lhs_hint = false} : vector<1024x115xf32>, vector<115x115xf32>, vector<1024x115xf32> -> vector<1024x115xf32>
    %add3A_30 = vector.broadcast %get3A_19 : vector<1x115xf32> to vector<1024x115xf32>
    %add3A_31 = arith.addf %dot_general3A_29, %add3A_30 : vector<1024x115xf32>
    %max3A = arith.constant 0.000000e+00 : f32
    %max3A_32 = vector.broadcast %max3A : f32 to vector<1024x115xf32>
    %max3A_33 = arith.maximumf %add3A_31, %max3A_32 : vector<1024x115xf32>
    %jit3A_34 = arith.constant 0.000000e+00 : f32
    %broadcast_in_dim3A_35 = vector.shape_cast %lt3A_6 : vector<1024x1xi1> to vector<1024x1xi1>
    %broadcast_in_dim3A_36 = vector.broadcast %broadcast_in_dim3A_35 : vector<1024x1xi1> to vector<1024x115xi1>
    %broadcast_in_dim3A_37 = vector.broadcast %jit3A_34 : f32 to vector<1024x115xf32>
    %select_n3A_38 = arith.select %broadcast_in_dim3A_36, %max3A_33, %broadcast_in_dim3A_37 : vector<1024x115xi1>, vector<1024x115xf32>
    %reduce_sum3A = arith.constant dense<0.000000e+00> : vector<115xf32>
    %reduce_sum3A_39 = vector.multi_reduction <add>, %select_n3A_38, %reduce_sum3A [0] : vector<1024x115xf32> to vector<115xf32>
    %broadcast_in_dim3A_40 = vector.shape_cast %reduce_sum3A_39 : vector<115xf32> to vector<1x115xf32>
    %div3A = arith.constant 9.000000e+02 : f32
    %div3A_41 = vector.broadcast %div3A : f32 to vector<1x115xf32>
    %div3A_42 = arith.divf %broadcast_in_dim3A_40, %div3A_41 : vector<1x115xf32>
    %sub3A = vector.broadcast %div3A_42 : vector<1x115xf32> to vector<1024x115xf32>
    %sub3A_43 = arith.subf %select_n3A_38, %sub3A : vector<1024x115xf32>
    %mul3A = arith.mulf %sub3A_43, %sub3A_43 : vector<1024x115xf32>
    %jit3A_44 = arith.constant 0.000000e+00 : f32
    %broadcast_in_dim3A_45 = vector.shape_cast %lt3A_6 : vector<1024x1xi1> to vector<1024x1xi1>
    %broadcast_in_dim3A_46 = vector.broadcast %broadcast_in_dim3A_45 : vector<1024x1xi1> to vector<1024x115xi1>
    %broadcast_in_dim3A_47 = vector.broadcast %jit3A_44 : f32 to vector<1024x115xf32>
    %select_n3A_48 = arith.select %broadcast_in_dim3A_46, %mul3A, %broadcast_in_dim3A_47 : vector<1024x115xi1>, vector<1024x115xf32>
    %reduce_sum3A_49 = arith.constant dense<0.000000e+00> : vector<115xf32>
    %reduce_sum3A_50 = vector.multi_reduction <add>, %select_n3A_48, %reduce_sum3A_49 [0] : vector<1024x115xf32> to vector<115xf32>
    %broadcast_in_dim3A_51 = vector.shape_cast %reduce_sum3A_50 : vector<115xf32> to vector<1x115xf32>
    %div3A_52 = arith.constant 9.000000e+02 : f32
    %div3A_53 = vector.broadcast %div3A_52 : f32 to vector<1x115xf32>
    %div3A_54 = arith.divf %broadcast_in_dim3A_51, %div3A_53 : vector<1x115xf32>
    %mul3A_55 = vector.broadcast %get3A_22 : vector<1x115xf32> to vector<1024x115xf32>
    %mul3A_56 = arith.mulf %mul3A_55, %sub3A_43 : vector<1024x115xf32>
    %add3A_57 = arith.constant 9.99999974E-6 : f32
    %add3A_58 = vector.broadcast %add3A_57 : f32 to vector<1x115xf32>
    %add3A_59 = arith.addf %div3A_54, %add3A_58 : vector<1x115xf32>
    %sqrt3A = math.sqrt %add3A_59 : vector<1x115xf32>
    %div3A_60 = vector.broadcast %sqrt3A : vector<1x115xf32> to vector<1024x115xf32>
    %div3A_61 = arith.divf %mul3A_56, %div3A_60 : vector<1024x115xf32>
    %add3A_62 = vector.broadcast %get3A_25 : vector<1x115xf32> to vector<1024x115xf32>
    %add3A_63 = arith.addf %div3A_61, %add3A_62 : vector<1024x115xf32>
    %jit3A_64 = arith.constant 0.000000e+00 : f32
    %broadcast_in_dim3A_65 = vector.shape_cast %lt3A_6 : vector<1024x1xi1> to vector<1024x1xi1>
    %broadcast_in_dim3A_66 = vector.broadcast %broadcast_in_dim3A_65 : vector<1024x1xi1> to vector<1024x115xi1>
    %broadcast_in_dim3A_67 = vector.broadcast %jit3A_64 : f32 to vector<1024x115xf32>
    %select_n3A_68 = arith.select %broadcast_in_dim3A_66, %add3A_63, %broadcast_in_dim3A_67 : vector<1024x115xi1>, vector<1024x115xf32>
    %get3A_69 = arith.constant 0 : index
    %get3A_70 = arith.constant 0 : index
    %get3A_71 = vector.load %arg3[%get3A_69, %get3A_70] : memref<115x115xf32, #tpu.memory_space<vmem>>, vector<115x115xf32>
    %get3A_72 = arith.constant 0 : index
    %get3A_73 = arith.constant 0 : index
    %get3A_74 = vector.load %arg5[%get3A_72, %get3A_73] : memref<1x115xf32, #tpu.memory_space<vmem>>, vector<1x115xf32>
    %get3A_75 = arith.constant 0 : index
    %get3A_76 = arith.constant 0 : index
    %get3A_77 = vector.load %arg8[%get3A_75, %get3A_76] : memref<1x115xf32, #tpu.memory_space<vmem>>, vector<1x115xf32>
    %get3A_78 = arith.constant 0 : index
    %get3A_79 = arith.constant 0 : index
    %get3A_80 = vector.load %arg9[%get3A_78, %get3A_79] : memref<1x115xf32, #tpu.memory_space<vmem>>, vector<1x115xf32>
    %dot_general3A_81 = arith.constant dense<0.000000e+00> : vector<1024x115xf32>
    %dot_general3A_82 = tpu.matmul %add3A, %select_n3A_68, %dot_general3A_81 {dimension_numbers = #tpu.dot_dimension_numbers<[1], [0], [0], [1], [0, 0, 1, 1], [], []>, precision = #tpu.contract_precision<fp32>, transpose_lhs_hint = false} : vector<1024x1024xf32>, vector<1024x115xf32>, vector<1024x115xf32> -> vector<1024x115xf32>
    %add3A_83 = arith.addf %select_n3A_68, %dot_general3A_82 : vector<1024x115xf32>
    %dot_general3A_84 = arith.constant dense<0.000000e+00> : vector<1024x115xf32>
    %dot_general3A_85 = tpu.matmul %add3A_83, %get3A_71, %dot_general3A_84 {dimension_numbers = #tpu.dot_dimension_numbers<[1], [0], [0], [1], [0, 0, 1, 1], [], []>, transpose_lhs_hint = false} : vector<1024x115xf32>, vector<115x115xf32>, vector<1024x115xf32> -> vector<1024x115xf32>
    %add3A_86 = vector.broadcast %get3A_74 : vector<1x115xf32> to vector<1024x115xf32>
    %add3A_87 = arith.addf %dot_general3A_85, %add3A_86 : vector<1024x115xf32>
    %max3A_88 = arith.constant 0.000000e+00 : f32
    %max3A_89 = vector.broadcast %max3A_88 : f32 to vector<1024x115xf32>
    %max3A_90 = arith.maximumf %add3A_87, %max3A_89 : vector<1024x115xf32>
    %jit3A_91 = arith.constant 0.000000e+00 : f32
    %broadcast_in_dim3A_92 = vector.shape_cast %lt3A_6 : vector<1024x1xi1> to vector<1024x1xi1>
    %broadcast_in_dim3A_93 = vector.broadcast %broadcast_in_dim3A_92 : vector<1024x1xi1> to vector<1024x115xi1>
    %broadcast_in_dim3A_94 = vector.broadcast %jit3A_91 : f32 to vector<1024x115xf32>
    %select_n3A_95 = arith.select %broadcast_in_dim3A_93, %max3A_90, %broadcast_in_dim3A_94 : vector<1024x115xi1>, vector<1024x115xf32>
    %reduce_sum3A_96 = arith.constant dense<0.000000e+00> : vector<115xf32>
    %reduce_sum3A_97 = vector.multi_reduction <add>, %select_n3A_95, %reduce_sum3A_96 [0] : vector<1024x115xf32> to vector<115xf32>
    %broadcast_in_dim3A_98 = vector.shape_cast %reduce_sum3A_97 : vector<115xf32> to vector<1x115xf32>
    %div3A_99 = arith.constant 9.000000e+02 : f32
    %div3A_100 = vector.broadcast %div3A_99 : f32 to vector<1x115xf32>
    %div3A_101 = arith.divf %broadcast_in_dim3A_98, %div3A_100 : vector<1x115xf32>
    %sub3A_102 = vector.broadcast %div3A_101 : vector<1x115xf32> to vector<1024x115xf32>
    %sub3A_103 = arith.subf %select_n3A_95, %sub3A_102 : vector<1024x115xf32>
    %mul3A_104 = arith.mulf %sub3A_103, %sub3A_103 : vector<1024x115xf32>
    %jit3A_105 = arith.constant 0.000000e+00 : f32
    %broadcast_in_dim3A_106 = vector.shape_cast %lt3A_6 : vector<1024x1xi1> to vector<1024x1xi1>
    %broadcast_in_dim3A_107 = vector.broadcast %broadcast_in_dim3A_106 : vector<1024x1xi1> to vector<1024x115xi1>
    %broadcast_in_dim3A_108 = vector.broadcast %jit3A_105 : f32 to vector<1024x115xf32>
    %select_n3A_109 = arith.select %broadcast_in_dim3A_107, %mul3A_104, %broadcast_in_dim3A_108 : vector<1024x115xi1>, vector<1024x115xf32>
    %reduce_sum3A_110 = arith.constant dense<0.000000e+00> : vector<115xf32>
    %reduce_sum3A_111 = vector.multi_reduction <add>, %select_n3A_109, %reduce_sum3A_110 [0] : vector<1024x115xf32> to vector<115xf32>
    %broadcast_in_dim3A_112 = vector.shape_cast %reduce_sum3A_111 : vector<115xf32> to vector<1x115xf32>
    %div3A_113 = arith.constant 9.000000e+02 : f32
    %div3A_114 = vector.broadcast %div3A_113 : f32 to vector<1x115xf32>
    %div3A_115 = arith.divf %broadcast_in_dim3A_112, %div3A_114 : vector<1x115xf32>
    %mul3A_116 = vector.broadcast %get3A_77 : vector<1x115xf32> to vector<1024x115xf32>
    %mul3A_117 = arith.mulf %mul3A_116, %sub3A_103 : vector<1024x115xf32>
    %add3A_118 = arith.constant 9.99999974E-6 : f32
    %add3A_119 = vector.broadcast %add3A_118 : f32 to vector<1x115xf32>
    %add3A_120 = arith.addf %div3A_115, %add3A_119 : vector<1x115xf32>
    %sqrt3A_121 = math.sqrt %add3A_120 : vector<1x115xf32>
    %div3A_122 = vector.broadcast %sqrt3A_121 : vector<1x115xf32> to vector<1024x115xf32>
    %div3A_123 = arith.divf %mul3A_117, %div3A_122 : vector<1024x115xf32>
    %add3A_124 = vector.broadcast %get3A_80 : vector<1x115xf32> to vector<1024x115xf32>
    %add3A_125 = arith.addf %div3A_123, %add3A_124 : vector<1024x115xf32>
    %jit3A_126 = arith.constant 0.000000e+00 : f32
    %broadcast_in_dim3A_127 = vector.shape_cast %lt3A_6 : vector<1024x1xi1> to vector<1024x1xi1>
    %broadcast_in_dim3A_128 = vector.broadcast %broadcast_in_dim3A_127 : vector<1024x1xi1> to vector<1024x115xi1>
    %broadcast_in_dim3A_129 = vector.broadcast %jit3A_126 : f32 to vector<1024x115xf32>
    %select_n3A_130 = arith.select %broadcast_in_dim3A_128, %add3A_125, %broadcast_in_dim3A_129 : vector<1024x115xi1>, vector<1024x115xf32>
    %get3A_131 = arith.constant 0 : index
    %get3A_132 = arith.constant 0 : index
    %get3A_133 = vector.load %arg10[%get3A_131, %get3A_132] : memref<1x115xf32, #tpu.memory_space<vmem>>, vector<1x115xf32>
    %mul3A_134 = arith.mulf %get3A_133, %get3A_133 : vector<1x115xf32>
    %reduce_sum3A_135 = vector.shape_cast %mul3A_134 : vector<1x115xf32> to vector<1x1x115xf32>
    %reduce_sum3A_136 = arith.constant dense<0.000000e+00> : vector<1xf32>
    %reduce_sum3A_137 = vector.multi_reduction <add>, %reduce_sum3A_135, %reduce_sum3A_136 [1, 2] : vector<1x1x115xf32> to vector<1xf32>
    %reduce_sum3A_138 = vector.shape_cast %reduce_sum3A_137 : vector<1xf32> to vector<1x1x1xf32>
    %reduce_sum3A_139 = vector.extract %reduce_sum3A_138[0, 0, 0] : f32 from vector<1x1x1xf32>
    %sqrt3A_140 = math.sqrt %reduce_sum3A_139 : f32
    %add3A_141 = arith.constant 9.99999996E-13 : f32
    %add3A_142 = arith.addf %sqrt3A_140, %add3A_141 : f32
    %dot_general3A_143 = arith.constant dense<0.000000e+00> : vector<1x1024xf32>
    %dot_general3A_144 = tpu.matmul %get3A_133, %select_n3A_130, %dot_general3A_143 {dimension_numbers = #tpu.dot_dimension_numbers<[1], [1], [0], [0], [0, 0, 1, 0], [], []>, transpose_lhs_hint = false} : vector<1x115xf32>, vector<1024x115xf32>, vector<1x1024xf32> -> vector<1x1024xf32>
    %div3A_145 = vector.broadcast %add3A_142 : f32 to vector<1x1024xf32>
    %div3A_146 = arith.divf %dot_general3A_144, %div3A_145 : vector<1x1024xf32>
    %broadcast_in_dim3A_147 = vector.shape_cast %div3A_146 : vector<1x1024xf32> to vector<1x1024xf32>
    %broadcast_in_dim3A_148 = vector.broadcast %broadcast_in_dim3A_147 : vector<1x1024xf32> to vector<10x1024xf32>
    %iota3A_149 = tpu.iota {dimensions = array<i32: 0>} : vector<10x1024xi32>
    %iota3A_150 = tpu.iota {dimensions = array<i32: 1>} : vector<10x1024xi32>
    %mul3A_151 = arith.constant 90 : i32
    %mul3A_152 = vector.broadcast %mul3A_151 : i32 to vector<10x1024xi32>
    %mul3A_153 = arith.muli %iota3A_149, %mul3A_152 : vector<10x1024xi32>
    %ge3A = arith.cmpi sge, %iota3A_150, %mul3A_153 : vector<10x1024xi32>
    %mul3A_154 = arith.constant 90 : i32
    %mul3A_155 = vector.broadcast %mul3A_154 : i32 to vector<10x1024xi32>
    %mul3A_156 = arith.muli %iota3A_149, %mul3A_155 : vector<10x1024xi32>
    %add3A_157 = arith.constant 90 : i32
    %add3A_158 = vector.broadcast %add3A_157 : i32 to vector<10x1024xi32>
    %add3A_159 = arith.addi %mul3A_156, %add3A_158 : vector<10x1024xi32>
    %lt3A_160 = arith.cmpi slt, %iota3A_150, %add3A_159 : vector<10x1024xi32>
    %and3A = arith.andi %ge3A, %lt3A_160 : vector<10x1024xi1>
    %jit3A_161 = arith.constant -1.000000e+30 : f32
    %broadcast_in_dim3A_162 = vector.broadcast %jit3A_161 : f32 to vector<10x1024xf32>
    %select_n3A_163 = arith.select %and3A, %broadcast_in_dim3A_148, %broadcast_in_dim3A_162 : vector<10x1024xi1>, vector<10x1024xf32>
    %broadcast_in_dim3A_164 = arith.constant 0.000000e+00 : f32
    %broadcast_in_dim3A_165 = vector.broadcast %broadcast_in_dim3A_164 : f32 to vector<10x1024xf32>
    %reduce_max3A = arith.constant dense<0xFF800000> : vector<10xf32>
    %reduce_max3A_166 = vector.multi_reduction <maximumf>, %select_n3A_163, %reduce_max3A [1] : vector<10x1024xf32> to vector<10xf32>
    %broadcast_in_dim3A_167 = vector.shape_cast %reduce_max3A_166 : vector<10xf32> to vector<10x1xf32>
    %eq3A = vector.broadcast %broadcast_in_dim3A_167 : vector<10x1xf32> to vector<10x1024xf32>
    %eq3A_168 = arith.cmpf oeq, %select_n3A_163, %eq3A : vector<10x1024xf32>
    %jit3A_169 = arith.constant 1073741824 : i32
    %broadcast_in_dim3A_170 = vector.broadcast %jit3A_169 : i32 to vector<10x1024xi32>
    %select_n3A_171 = arith.select %eq3A_168, %iota3A_150, %broadcast_in_dim3A_170 : vector<10x1024xi1>, vector<10x1024xi32>
    %reduce_min3A = arith.constant dense<2147483647> : vector<10xi32>
    %reduce_min3A_172 = vector.multi_reduction <minsi>, %select_n3A_171, %reduce_min3A [1] : vector<10x1024xi32> to vector<10xi32>
    %broadcast_in_dim3A_173 = vector.shape_cast %reduce_min3A_172 : vector<10xi32> to vector<10x1xi32>
    %add3A_174 = arith.constant 1.000000e-01 : f32
    %add3A_175 = vector.broadcast %add3A_174 : f32 to vector<10x1xf32>
    %add3A_176 = arith.addf %broadcast_in_dim3A_167, %add3A_175 : vector<10x1xf32>
    %tanh3A = math.tanh %add3A_176 : vector<10x1xf32>
    %mul3A_177 = arith.constant 1.000000e-01 : f32
    %mul3A_178 = vector.broadcast %mul3A_177 : f32 to vector<10x1xf32>
    %mul3A_179 = arith.mulf %tanh3A, %mul3A_178 : vector<10x1xf32>
    %eq3A_180 = vector.broadcast %broadcast_in_dim3A_173 : vector<10x1xi32> to vector<10x1024xi32>
    %eq3A_181 = arith.cmpi eq, %iota3A_150, %eq3A_180 : vector<10x1024xi32>
    %jit3A_182 = arith.constant 0.000000e+00 : f32
    %broadcast_in_dim3A_183 = vector.shape_cast %mul3A_179 : vector<10x1xf32> to vector<10x1xf32>
    %broadcast_in_dim3A_184 = vector.broadcast %broadcast_in_dim3A_183 : vector<10x1xf32> to vector<10x1024xf32>
    %broadcast_in_dim3A_185 = vector.broadcast %jit3A_182 : f32 to vector<10x1024xf32>
    %select_n3A_186 = arith.select %eq3A_181, %broadcast_in_dim3A_184, %broadcast_in_dim3A_185 : vector<10x1024xi1>, vector<10x1024xf32>
    %add3A_187 = arith.addf %broadcast_in_dim3A_165, %select_n3A_186 : vector<10x1024xf32>
    %jit3A_188 = arith.constant -1.000000e+30 : f32
    %broadcast_in_dim3A_189 = vector.broadcast %jit3A_188 : f32 to vector<10x1024xf32>
    %select_n3A_190 = arith.select %eq3A_181, %broadcast_in_dim3A_189, %select_n3A_163 : vector<10x1024xi1>, vector<10x1024xf32>
    %reduce_max3A_191 = arith.constant dense<0xFF800000> : vector<10xf32>
    %reduce_max3A_192 = vector.multi_reduction <maximumf>, %select_n3A_190, %reduce_max3A_191 [1] : vector<10x1024xf32> to vector<10xf32>
    %broadcast_in_dim3A_193 = vector.shape_cast %reduce_max3A_192 : vector<10xf32> to vector<10x1xf32>
    %eq3A_194 = vector.broadcast %broadcast_in_dim3A_193 : vector<10x1xf32> to vector<10x1024xf32>
    %eq3A_195 = arith.cmpf oeq, %select_n3A_190, %eq3A_194 : vector<10x1024xf32>
    %jit3A_196 = arith.constant 1073741824 : i32
    %broadcast_in_dim3A_197 = vector.broadcast %jit3A_196 : i32 to vector<10x1024xi32>
    %select_n3A_198 = arith.select %eq3A_195, %iota3A_150, %broadcast_in_dim3A_197 : vector<10x1024xi1>, vector<10x1024xi32>
    %reduce_min3A_199 = arith.constant dense<2147483647> : vector<10xi32>
    %reduce_min3A_200 = vector.multi_reduction <minsi>, %select_n3A_198, %reduce_min3A_199 [1] : vector<10x1024xi32> to vector<10xi32>
    %broadcast_in_dim3A_201 = vector.shape_cast %reduce_min3A_200 : vector<10xi32> to vector<10x1xi32>
    %add3A_202 = arith.constant 1.000000e-01 : f32
    %add3A_203 = vector.broadcast %add3A_202 : f32 to vector<10x1xf32>
    %add3A_204 = arith.addf %broadcast_in_dim3A_193, %add3A_203 : vector<10x1xf32>
    %tanh3A_205 = math.tanh %add3A_204 : vector<10x1xf32>
    %mul3A_206 = arith.constant 1.000000e-01 : f32
    %mul3A_207 = vector.broadcast %mul3A_206 : f32 to vector<10x1xf32>
    %mul3A_208 = arith.mulf %tanh3A_205, %mul3A_207 : vector<10x1xf32>
    %eq3A_209 = vector.broadcast %broadcast_in_dim3A_201 : vector<10x1xi32> to vector<10x1024xi32>
    %eq3A_210 = arith.cmpi eq, %iota3A_150, %eq3A_209 : vector<10x1024xi32>
    %jit3A_211 = arith.constant 0.000000e+00 : f32
    %broadcast_in_dim3A_212 = vector.shape_cast %mul3A_208 : vector<10x1xf32> to vector<10x1xf32>
    %broadcast_in_dim3A_213 = vector.broadcast %broadcast_in_dim3A_212 : vector<10x1xf32> to vector<10x1024xf32>
    %broadcast_in_dim3A_214 = vector.broadcast %jit3A_211 : f32 to vector<10x1024xf32>
    %select_n3A_215 = arith.select %eq3A_210, %broadcast_in_dim3A_213, %broadcast_in_dim3A_214 : vector<10x1024xi1>, vector<10x1024xf32>
    %add3A_216 = arith.addf %add3A_187, %select_n3A_215 : vector<10x1024xf32>
    %jit3A_217 = arith.constant -1.000000e+30 : f32
    %broadcast_in_dim3A_218 = vector.broadcast %jit3A_217 : f32 to vector<10x1024xf32>
    %select_n3A_219 = arith.select %eq3A_210, %broadcast_in_dim3A_218, %select_n3A_190 : vector<10x1024xi1>, vector<10x1024xf32>
    %reduce_max3A_220 = arith.constant dense<0xFF800000> : vector<10xf32>
    %reduce_max3A_221 = vector.multi_reduction <maximumf>, %select_n3A_219, %reduce_max3A_220 [1] : vector<10x1024xf32> to vector<10xf32>
    %broadcast_in_dim3A_222 = vector.shape_cast %reduce_max3A_221 : vector<10xf32> to vector<10x1xf32>
    %eq3A_223 = vector.broadcast %broadcast_in_dim3A_222 : vector<10x1xf32> to vector<10x1024xf32>
    %eq3A_224 = arith.cmpf oeq, %select_n3A_219, %eq3A_223 : vector<10x1024xf32>
    %jit3A_225 = arith.constant 1073741824 : i32
    %broadcast_in_dim3A_226 = vector.broadcast %jit3A_225 : i32 to vector<10x1024xi32>
    %select_n3A_227 = arith.select %eq3A_224, %iota3A_150, %broadcast_in_dim3A_226 : vector<10x1024xi1>, vector<10x1024xi32>
    %reduce_min3A_228 = arith.constant dense<2147483647> : vector<10xi32>
    %reduce_min3A_229 = vector.multi_reduction <minsi>, %select_n3A_227, %reduce_min3A_228 [1] : vector<10x1024xi32> to vector<10xi32>
    %broadcast_in_dim3A_230 = vector.shape_cast %reduce_min3A_229 : vector<10xi32> to vector<10x1xi32>
    %add3A_231 = arith.constant 1.000000e-01 : f32
    %add3A_232 = vector.broadcast %add3A_231 : f32 to vector<10x1xf32>
    %add3A_233 = arith.addf %broadcast_in_dim3A_222, %add3A_232 : vector<10x1xf32>
    %tanh3A_234 = math.tanh %add3A_233 : vector<10x1xf32>
    %mul3A_235 = arith.constant 1.000000e-01 : f32
    %mul3A_236 = vector.broadcast %mul3A_235 : f32 to vector<10x1xf32>
    %mul3A_237 = arith.mulf %tanh3A_234, %mul3A_236 : vector<10x1xf32>
    %eq3A_238 = vector.broadcast %broadcast_in_dim3A_230 : vector<10x1xi32> to vector<10x1024xi32>
    %eq3A_239 = arith.cmpi eq, %iota3A_150, %eq3A_238 : vector<10x1024xi32>
    %jit3A_240 = arith.constant 0.000000e+00 : f32
    %broadcast_in_dim3A_241 = vector.shape_cast %mul3A_237 : vector<10x1xf32> to vector<10x1xf32>
    %broadcast_in_dim3A_242 = vector.broadcast %broadcast_in_dim3A_241 : vector<10x1xf32> to vector<10x1024xf32>
    %broadcast_in_dim3A_243 = vector.broadcast %jit3A_240 : f32 to vector<10x1024xf32>
    %select_n3A_244 = arith.select %eq3A_239, %broadcast_in_dim3A_242, %broadcast_in_dim3A_243 : vector<10x1024xi1>, vector<10x1024xf32>
    %add3A_245 = arith.addf %add3A_216, %select_n3A_244 : vector<10x1024xf32>
    %jit3A_246 = arith.constant -1.000000e+30 : f32
    %broadcast_in_dim3A_247 = vector.broadcast %jit3A_246 : f32 to vector<10x1024xf32>
    %select_n3A_248 = arith.select %eq3A_239, %broadcast_in_dim3A_247, %select_n3A_219 : vector<10x1024xi1>, vector<10x1024xf32>
    %reduce_max3A_249 = arith.constant dense<0xFF800000> : vector<10xf32>
    %reduce_max3A_250 = vector.multi_reduction <maximumf>, %select_n3A_248, %reduce_max3A_249 [1] : vector<10x1024xf32> to vector<10xf32>
    %broadcast_in_dim3A_251 = vector.shape_cast %reduce_max3A_250 : vector<10xf32> to vector<10x1xf32>
    %eq3A_252 = vector.broadcast %broadcast_in_dim3A_251 : vector<10x1xf32> to vector<10x1024xf32>
    %eq3A_253 = arith.cmpf oeq, %select_n3A_248, %eq3A_252 : vector<10x1024xf32>
    %jit3A_254 = arith.constant 1073741824 : i32
    %broadcast_in_dim3A_255 = vector.broadcast %jit3A_254 : i32 to vector<10x1024xi32>
    %select_n3A_256 = arith.select %eq3A_253, %iota3A_150, %broadcast_in_dim3A_255 : vector<10x1024xi1>, vector<10x1024xi32>
    %reduce_min3A_257 = arith.constant dense<2147483647> : vector<10xi32>
    %reduce_min3A_258 = vector.multi_reduction <minsi>, %select_n3A_256, %reduce_min3A_257 [1] : vector<10x1024xi32> to vector<10xi32>
    %broadcast_in_dim3A_259 = vector.shape_cast %reduce_min3A_258 : vector<10xi32> to vector<10x1xi32>
    %add3A_260 = arith.constant 1.000000e-01 : f32
    %add3A_261 = vector.broadcast %add3A_260 : f32 to vector<10x1xf32>
    %add3A_262 = arith.addf %broadcast_in_dim3A_251, %add3A_261 : vector<10x1xf32>
    %tanh3A_263 = math.tanh %add3A_262 : vector<10x1xf32>
    %mul3A_264 = arith.constant 1.000000e-01 : f32
    %mul3A_265 = vector.broadcast %mul3A_264 : f32 to vector<10x1xf32>
    %mul3A_266 = arith.mulf %tanh3A_263, %mul3A_265 : vector<10x1xf32>
    %eq3A_267 = vector.broadcast %broadcast_in_dim3A_259 : vector<10x1xi32> to vector<10x1024xi32>
    %eq3A_268 = arith.cmpi eq, %iota3A_150, %eq3A_267 : vector<10x1024xi32>
    %jit3A_269 = arith.constant 0.000000e+00 : f32
    %broadcast_in_dim3A_270 = vector.shape_cast %mul3A_266 : vector<10x1xf32> to vector<10x1xf32>
    %broadcast_in_dim3A_271 = vector.broadcast %broadcast_in_dim3A_270 : vector<10x1xf32> to vector<10x1024xf32>
    %broadcast_in_dim3A_272 = vector.broadcast %jit3A_269 : f32 to vector<10x1024xf32>
    %select_n3A_273 = arith.select %eq3A_268, %broadcast_in_dim3A_271, %broadcast_in_dim3A_272 : vector<10x1024xi1>, vector<10x1024xf32>
    %add3A_274 = arith.addf %add3A_245, %select_n3A_273 : vector<10x1024xf32>
    %jit3A_275 = arith.constant -1.000000e+30 : f32
    %broadcast_in_dim3A_276 = vector.broadcast %jit3A_275 : f32 to vector<10x1024xf32>
    %select_n3A_277 = arith.select %eq3A_268, %broadcast_in_dim3A_276, %select_n3A_248 : vector<10x1024xi1>, vector<10x1024xf32>
    %reduce_max3A_278 = arith.constant dense<0xFF800000> : vector<10xf32>
    %reduce_max3A_279 = vector.multi_reduction <maximumf>, %select_n3A_277, %reduce_max3A_278 [1] : vector<10x1024xf32> to vector<10xf32>
    %broadcast_in_dim3A_280 = vector.shape_cast %reduce_max3A_279 : vector<10xf32> to vector<10x1xf32>
    %eq3A_281 = vector.broadcast %broadcast_in_dim3A_280 : vector<10x1xf32> to vector<10x1024xf32>
    %eq3A_282 = arith.cmpf oeq, %select_n3A_277, %eq3A_281 : vector<10x1024xf32>
    %jit3A_283 = arith.constant 1073741824 : i32
    %broadcast_in_dim3A_284 = vector.broadcast %jit3A_283 : i32 to vector<10x1024xi32>
    %select_n3A_285 = arith.select %eq3A_282, %iota3A_150, %broadcast_in_dim3A_284 : vector<10x1024xi1>, vector<10x1024xi32>
    %reduce_min3A_286 = arith.constant dense<2147483647> : vector<10xi32>
    %reduce_min3A_287 = vector.multi_reduction <minsi>, %select_n3A_285, %reduce_min3A_286 [1] : vector<10x1024xi32> to vector<10xi32>
    %broadcast_in_dim3A_288 = vector.shape_cast %reduce_min3A_287 : vector<10xi32> to vector<10x1xi32>
    %add3A_289 = arith.constant 1.000000e-01 : f32
    %add3A_290 = vector.broadcast %add3A_289 : f32 to vector<10x1xf32>
    %add3A_291 = arith.addf %broadcast_in_dim3A_280, %add3A_290 : vector<10x1xf32>
    %tanh3A_292 = math.tanh %add3A_291 : vector<10x1xf32>
    %mul3A_293 = arith.constant 1.000000e-01 : f32
    %mul3A_294 = vector.broadcast %mul3A_293 : f32 to vector<10x1xf32>
    %mul3A_295 = arith.mulf %tanh3A_292, %mul3A_294 : vector<10x1xf32>
    %eq3A_296 = vector.broadcast %broadcast_in_dim3A_288 : vector<10x1xi32> to vector<10x1024xi32>
    %eq3A_297 = arith.cmpi eq, %iota3A_150, %eq3A_296 : vector<10x1024xi32>
    %jit3A_298 = arith.constant 0.000000e+00 : f32
    %broadcast_in_dim3A_299 = vector.shape_cast %mul3A_295 : vector<10x1xf32> to vector<10x1xf32>
    %broadcast_in_dim3A_300 = vector.broadcast %broadcast_in_dim3A_299 : vector<10x1xf32> to vector<10x1024xf32>
    %broadcast_in_dim3A_301 = vector.broadcast %jit3A_298 : f32 to vector<10x1024xf32>
    %select_n3A_302 = arith.select %eq3A_297, %broadcast_in_dim3A_300, %broadcast_in_dim3A_301 : vector<10x1024xi1>, vector<10x1024xf32>
    %add3A_303 = arith.addf %add3A_274, %select_n3A_302 : vector<10x1024xf32>
    %jit3A_304 = arith.constant -1.000000e+30 : f32
    %broadcast_in_dim3A_305 = vector.broadcast %jit3A_304 : f32 to vector<10x1024xf32>
    %select_n3A_306 = arith.select %eq3A_297, %broadcast_in_dim3A_305, %select_n3A_277 : vector<10x1024xi1>, vector<10x1024xf32>
    %reduce_max3A_307 = arith.constant dense<0xFF800000> : vector<10xf32>
    %reduce_max3A_308 = vector.multi_reduction <maximumf>, %select_n3A_306, %reduce_max3A_307 [1] : vector<10x1024xf32> to vector<10xf32>
    %broadcast_in_dim3A_309 = vector.shape_cast %reduce_max3A_308 : vector<10xf32> to vector<10x1xf32>
    %eq3A_310 = vector.broadcast %broadcast_in_dim3A_309 : vector<10x1xf32> to vector<10x1024xf32>
    %eq3A_311 = arith.cmpf oeq, %select_n3A_306, %eq3A_310 : vector<10x1024xf32>
    %jit3A_312 = arith.constant 1073741824 : i32
    %broadcast_in_dim3A_313 = vector.broadcast %jit3A_312 : i32 to vector<10x1024xi32>
    %select_n3A_314 = arith.select %eq3A_311, %iota3A_150, %broadcast_in_dim3A_313 : vector<10x1024xi1>, vector<10x1024xi32>
    %reduce_min3A_315 = arith.constant dense<2147483647> : vector<10xi32>
    %reduce_min3A_316 = vector.multi_reduction <minsi>, %select_n3A_314, %reduce_min3A_315 [1] : vector<10x1024xi32> to vector<10xi32>
    %broadcast_in_dim3A_317 = vector.shape_cast %reduce_min3A_316 : vector<10xi32> to vector<10x1xi32>
    %add3A_318 = arith.constant 1.000000e-01 : f32
    %add3A_319 = vector.broadcast %add3A_318 : f32 to vector<10x1xf32>
    %add3A_320 = arith.addf %broadcast_in_dim3A_309, %add3A_319 : vector<10x1xf32>
    %tanh3A_321 = math.tanh %add3A_320 : vector<10x1xf32>
    %mul3A_322 = arith.constant 1.000000e-01 : f32
    %mul3A_323 = vector.broadcast %mul3A_322 : f32 to vector<10x1xf32>
    %mul3A_324 = arith.mulf %tanh3A_321, %mul3A_323 : vector<10x1xf32>
    %eq3A_325 = vector.broadcast %broadcast_in_dim3A_317 : vector<10x1xi32> to vector<10x1024xi32>
    %eq3A_326 = arith.cmpi eq, %iota3A_150, %eq3A_325 : vector<10x1024xi32>
    %jit3A_327 = arith.constant 0.000000e+00 : f32
    %broadcast_in_dim3A_328 = vector.shape_cast %mul3A_324 : vector<10x1xf32> to vector<10x1xf32>
    %broadcast_in_dim3A_329 = vector.broadcast %broadcast_in_dim3A_328 : vector<10x1xf32> to vector<10x1024xf32>
    %broadcast_in_dim3A_330 = vector.broadcast %jit3A_327 : f32 to vector<10x1024xf32>
    %select_n3A_331 = arith.select %eq3A_326, %broadcast_in_dim3A_329, %broadcast_in_dim3A_330 : vector<10x1024xi1>, vector<10x1024xf32>
    %add3A_332 = arith.addf %add3A_303, %select_n3A_331 : vector<10x1024xf32>
    %jit3A_333 = arith.constant -1.000000e+30 : f32
    %broadcast_in_dim3A_334 = vector.broadcast %jit3A_333 : f32 to vector<10x1024xf32>
    %select_n3A_335 = arith.select %eq3A_326, %broadcast_in_dim3A_334, %select_n3A_306 : vector<10x1024xi1>, vector<10x1024xf32>
    %reduce_max3A_336 = arith.constant dense<0xFF800000> : vector<10xf32>
    %reduce_max3A_337 = vector.multi_reduction <maximumf>, %select_n3A_335, %reduce_max3A_336 [1] : vector<10x1024xf32> to vector<10xf32>
    %broadcast_in_dim3A_338 = vector.shape_cast %reduce_max3A_337 : vector<10xf32> to vector<10x1xf32>
    %eq3A_339 = vector.broadcast %broadcast_in_dim3A_338 : vector<10x1xf32> to vector<10x1024xf32>
    %eq3A_340 = arith.cmpf oeq, %select_n3A_335, %eq3A_339 : vector<10x1024xf32>
    %jit3A_341 = arith.constant 1073741824 : i32
    %broadcast_in_dim3A_342 = vector.broadcast %jit3A_341 : i32 to vector<10x1024xi32>
    %select_n3A_343 = arith.select %eq3A_340, %iota3A_150, %broadcast_in_dim3A_342 : vector<10x1024xi1>, vector<10x1024xi32>
    %reduce_min3A_344 = arith.constant dense<2147483647> : vector<10xi32>
    %reduce_min3A_345 = vector.multi_reduction <minsi>, %select_n3A_343, %reduce_min3A_344 [1] : vector<10x1024xi32> to vector<10xi32>
    %broadcast_in_dim3A_346 = vector.shape_cast %reduce_min3A_345 : vector<10xi32> to vector<10x1xi32>
    %add3A_347 = arith.constant 1.000000e-01 : f32
    %add3A_348 = vector.broadcast %add3A_347 : f32 to vector<10x1xf32>
    %add3A_349 = arith.addf %broadcast_in_dim3A_338, %add3A_348 : vector<10x1xf32>
    %tanh3A_350 = math.tanh %add3A_349 : vector<10x1xf32>
    %mul3A_351 = arith.constant 1.000000e-01 : f32
    %mul3A_352 = vector.broadcast %mul3A_351 : f32 to vector<10x1xf32>
    %mul3A_353 = arith.mulf %tanh3A_350, %mul3A_352 : vector<10x1xf32>
    %eq3A_354 = vector.broadcast %broadcast_in_dim3A_346 : vector<10x1xi32> to vector<10x1024xi32>
    %eq3A_355 = arith.cmpi eq, %iota3A_150, %eq3A_354 : vector<10x1024xi32>
    %jit3A_356 = arith.constant 0.000000e+00 : f32
    %broadcast_in_dim3A_357 = vector.shape_cast %mul3A_353 : vector<10x1xf32> to vector<10x1xf32>
    %broadcast_in_dim3A_358 = vector.broadcast %broadcast_in_dim3A_357 : vector<10x1xf32> to vector<10x1024xf32>
    %broadcast_in_dim3A_359 = vector.broadcast %jit3A_356 : f32 to vector<10x1024xf32>
    %select_n3A_360 = arith.select %eq3A_355, %broadcast_in_dim3A_358, %broadcast_in_dim3A_359 : vector<10x1024xi1>, vector<10x1024xf32>
    %add3A_361 = arith.addf %add3A_332, %select_n3A_360 : vector<10x1024xf32>
    %jit3A_362 = arith.constant -1.000000e+30 : f32
    %broadcast_in_dim3A_363 = vector.broadcast %jit3A_362 : f32 to vector<10x1024xf32>
    %select_n3A_364 = arith.select %eq3A_355, %broadcast_in_dim3A_363, %select_n3A_335 : vector<10x1024xi1>, vector<10x1024xf32>
    %reduce_max3A_365 = arith.constant dense<0xFF800000> : vector<10xf32>
    %reduce_max3A_366 = vector.multi_reduction <maximumf>, %select_n3A_364, %reduce_max3A_365 [1] : vector<10x1024xf32> to vector<10xf32>
    %broadcast_in_dim3A_367 = vector.shape_cast %reduce_max3A_366 : vector<10xf32> to vector<10x1xf32>
    %eq3A_368 = vector.broadcast %broadcast_in_dim3A_367 : vector<10x1xf32> to vector<10x1024xf32>
    %eq3A_369 = arith.cmpf oeq, %select_n3A_364, %eq3A_368 : vector<10x1024xf32>
    %jit3A_370 = arith.constant 1073741824 : i32
    %broadcast_in_dim3A_371 = vector.broadcast %jit3A_370 : i32 to vector<10x1024xi32>
    %select_n3A_372 = arith.select %eq3A_369, %iota3A_150, %broadcast_in_dim3A_371 : vector<10x1024xi1>, vector<10x1024xi32>
    %reduce_min3A_373 = arith.constant dense<2147483647> : vector<10xi32>
    %reduce_min3A_374 = vector.multi_reduction <minsi>, %select_n3A_372, %reduce_min3A_373 [1] : vector<10x1024xi32> to vector<10xi32>
    %broadcast_in_dim3A_375 = vector.shape_cast %reduce_min3A_374 : vector<10xi32> to vector<10x1xi32>
    %add3A_376 = arith.constant 1.000000e-01 : f32
    %add3A_377 = vector.broadcast %add3A_376 : f32 to vector<10x1xf32>
    %add3A_378 = arith.addf %broadcast_in_dim3A_367, %add3A_377 : vector<10x1xf32>
    %tanh3A_379 = math.tanh %add3A_378 : vector<10x1xf32>
    %mul3A_380 = arith.constant 1.000000e-01 : f32
    %mul3A_381 = vector.broadcast %mul3A_380 : f32 to vector<10x1xf32>
    %mul3A_382 = arith.mulf %tanh3A_379, %mul3A_381 : vector<10x1xf32>
    %eq3A_383 = vector.broadcast %broadcast_in_dim3A_375 : vector<10x1xi32> to vector<10x1024xi32>
    %eq3A_384 = arith.cmpi eq, %iota3A_150, %eq3A_383 : vector<10x1024xi32>
    %jit3A_385 = arith.constant 0.000000e+00 : f32
    %broadcast_in_dim3A_386 = vector.shape_cast %mul3A_382 : vector<10x1xf32> to vector<10x1xf32>
    %broadcast_in_dim3A_387 = vector.broadcast %broadcast_in_dim3A_386 : vector<10x1xf32> to vector<10x1024xf32>
    %broadcast_in_dim3A_388 = vector.broadcast %jit3A_385 : f32 to vector<10x1024xf32>
    %select_n3A_389 = arith.select %eq3A_384, %broadcast_in_dim3A_387, %broadcast_in_dim3A_388 : vector<10x1024xi1>, vector<10x1024xf32>
    %add3A_390 = arith.addf %add3A_361, %select_n3A_389 : vector<10x1024xf32>
    %jit3A_391 = arith.constant -1.000000e+30 : f32
    %broadcast_in_dim3A_392 = vector.broadcast %jit3A_391 : f32 to vector<10x1024xf32>
    %select_n3A_393 = arith.select %eq3A_384, %broadcast_in_dim3A_392, %select_n3A_364 : vector<10x1024xi1>, vector<10x1024xf32>
    %reduce_max3A_394 = arith.constant dense<0xFF800000> : vector<10xf32>
    %reduce_max3A_395 = vector.multi_reduction <maximumf>, %select_n3A_393, %reduce_max3A_394 [1] : vector<10x1024xf32> to vector<10xf32>
    %broadcast_in_dim3A_396 = vector.shape_cast %reduce_max3A_395 : vector<10xf32> to vector<10x1xf32>
    %eq3A_397 = vector.broadcast %broadcast_in_dim3A_396 : vector<10x1xf32> to vector<10x1024xf32>
    %eq3A_398 = arith.cmpf oeq, %select_n3A_393, %eq3A_397 : vector<10x1024xf32>
    %jit3A_399 = arith.constant 1073741824 : i32
    %broadcast_in_dim3A_400 = vector.broadcast %jit3A_399 : i32 to vector<10x1024xi32>
    %select_n3A_401 = arith.select %eq3A_398, %iota3A_150, %broadcast_in_dim3A_400 : vector<10x1024xi1>, vector<10x1024xi32>
    %reduce_min3A_402 = arith.constant dense<2147483647> : vector<10xi32>
    %reduce_min3A_403 = vector.multi_reduction <minsi>, %select_n3A_401, %reduce_min3A_402 [1] : vector<10x1024xi32> to vector<10xi32>
    %broadcast_in_dim3A_404 = vector.shape_cast %reduce_min3A_403 : vector<10xi32> to vector<10x1xi32>
    %add3A_405 = arith.constant 1.000000e-01 : f32
    %add3A_406 = vector.broadcast %add3A_405 : f32 to vector<10x1xf32>
    %add3A_407 = arith.addf %broadcast_in_dim3A_396, %add3A_406 : vector<10x1xf32>
    %tanh3A_408 = math.tanh %add3A_407 : vector<10x1xf32>
    %mul3A_409 = arith.constant 1.000000e-01 : f32
    %mul3A_410 = vector.broadcast %mul3A_409 : f32 to vector<10x1xf32>
    %mul3A_411 = arith.mulf %tanh3A_408, %mul3A_410 : vector<10x1xf32>
    %eq3A_412 = vector.broadcast %broadcast_in_dim3A_404 : vector<10x1xi32> to vector<10x1024xi32>
    %eq3A_413 = arith.cmpi eq, %iota3A_150, %eq3A_412 : vector<10x1024xi32>
    %jit3A_414 = arith.constant 0.000000e+00 : f32
    %broadcast_in_dim3A_415 = vector.shape_cast %mul3A_411 : vector<10x1xf32> to vector<10x1xf32>
    %broadcast_in_dim3A_416 = vector.broadcast %broadcast_in_dim3A_415 : vector<10x1xf32> to vector<10x1024xf32>
    %broadcast_in_dim3A_417 = vector.broadcast %jit3A_414 : f32 to vector<10x1024xf32>
    %select_n3A_418 = arith.select %eq3A_413, %broadcast_in_dim3A_416, %broadcast_in_dim3A_417 : vector<10x1024xi1>, vector<10x1024xf32>
    %add3A_419 = arith.addf %add3A_390, %select_n3A_418 : vector<10x1024xf32>
    %jit3A_420 = arith.constant -1.000000e+30 : f32
    %broadcast_in_dim3A_421 = vector.broadcast %jit3A_420 : f32 to vector<10x1024xf32>
    %select_n3A_422 = arith.select %eq3A_413, %broadcast_in_dim3A_421, %select_n3A_393 : vector<10x1024xi1>, vector<10x1024xf32>
    %reduce_max3A_423 = arith.constant dense<0xFF800000> : vector<10xf32>
    %reduce_max3A_424 = vector.multi_reduction <maximumf>, %select_n3A_422, %reduce_max3A_423 [1] : vector<10x1024xf32> to vector<10xf32>
    %broadcast_in_dim3A_425 = vector.shape_cast %reduce_max3A_424 : vector<10xf32> to vector<10x1xf32>
    %eq3A_426 = vector.broadcast %broadcast_in_dim3A_425 : vector<10x1xf32> to vector<10x1024xf32>
    %eq3A_427 = arith.cmpf oeq, %select_n3A_422, %eq3A_426 : vector<10x1024xf32>
    %jit3A_428 = arith.constant 1073741824 : i32
    %broadcast_in_dim3A_429 = vector.broadcast %jit3A_428 : i32 to vector<10x1024xi32>
    %select_n3A_430 = arith.select %eq3A_427, %iota3A_150, %broadcast_in_dim3A_429 : vector<10x1024xi1>, vector<10x1024xi32>
    %reduce_min3A_431 = arith.constant dense<2147483647> : vector<10xi32>
    %reduce_min3A_432 = vector.multi_reduction <minsi>, %select_n3A_430, %reduce_min3A_431 [1] : vector<10x1024xi32> to vector<10xi32>
    %broadcast_in_dim3A_433 = vector.shape_cast %reduce_min3A_432 : vector<10xi32> to vector<10x1xi32>
    %add3A_434 = arith.constant 1.000000e-01 : f32
    %add3A_435 = vector.broadcast %add3A_434 : f32 to vector<10x1xf32>
    %add3A_436 = arith.addf %broadcast_in_dim3A_425, %add3A_435 : vector<10x1xf32>
    %tanh3A_437 = math.tanh %add3A_436 : vector<10x1xf32>
    %mul3A_438 = arith.constant 1.000000e-01 : f32
    %mul3A_439 = vector.broadcast %mul3A_438 : f32 to vector<10x1xf32>
    %mul3A_440 = arith.mulf %tanh3A_437, %mul3A_439 : vector<10x1xf32>
    %eq3A_441 = vector.broadcast %broadcast_in_dim3A_433 : vector<10x1xi32> to vector<10x1024xi32>
    %eq3A_442 = arith.cmpi eq, %iota3A_150, %eq3A_441 : vector<10x1024xi32>
    %jit3A_443 = arith.constant 0.000000e+00 : f32
    %broadcast_in_dim3A_444 = vector.shape_cast %mul3A_440 : vector<10x1xf32> to vector<10x1xf32>
    %broadcast_in_dim3A_445 = vector.broadcast %broadcast_in_dim3A_444 : vector<10x1xf32> to vector<10x1024xf32>
    %broadcast_in_dim3A_446 = vector.broadcast %jit3A_443 : f32 to vector<10x1024xf32>
    %select_n3A_447 = arith.select %eq3A_442, %broadcast_in_dim3A_445, %broadcast_in_dim3A_446 : vector<10x1024xi1>, vector<10x1024xf32>
    %add3A_448 = arith.addf %add3A_419, %select_n3A_447 : vector<10x1024xf32>
    %dot_general3A_449 = arith.constant dense<0.000000e+00> : vector<10x115xf32>
    %dot_general3A_450 = tpu.matmul %add3A_448, %select_n3A_130, %dot_general3A_449 {dimension_numbers = #tpu.dot_dimension_numbers<[1], [0], [0], [1], [0, 0, 1, 1], [], []>, transpose_lhs_hint = false} : vector<10x1024xf32>, vector<1024x115xf32>, vector<10x115xf32> -> vector<10x115xf32>
    %logistic3A = arith.negf %dot_general3A_450 : vector<10x115xf32>
    %logistic3A_451 = math.exp %logistic3A : vector<10x115xf32>
    %logistic3A_452 = arith.constant 1.000000e+00 : f32
    %logistic3A_453 = vector.broadcast %logistic3A_452 : f32 to vector<10x115xf32>
    %logistic3A_454 = arith.addf %logistic3A_453, %logistic3A_451 : vector<10x115xf32>
    %logistic3A_455 = arith.divf %logistic3A_453, %logistic3A_454 : vector<10x115xf32>
    %get3A_456 = arith.constant 0 : index
    %get3A_457 = arith.constant 0 : index
    %get3A_458 = vector.load %arg11[%get3A_456, %get3A_457] : memref<115x231xf32, #tpu.memory_space<vmem>>, vector<115x231xf32>
    %dot_general3A_459 = arith.constant dense<0.000000e+00> : vector<10x231xf32>
    %dot_general3A_460 = tpu.matmul %logistic3A_455, %get3A_458, %dot_general3A_459 {dimension_numbers = #tpu.dot_dimension_numbers<[1], [0], [0], [1], [0, 0, 1, 1], [], []>, transpose_lhs_hint = false} : vector<10x115xf32>, vector<115x231xf32>, vector<10x231xf32> -> vector<10x231xf32>
    %get3A_461 = arith.constant 0 : index
    %get3A_462 = arith.constant 0 : index
    %get3A_463 = vector.load %arg12[%get3A_461, %get3A_462] : memref<1x231xf32, #tpu.memory_space<vmem>>, vector<1x231xf32>
    %add3A_464 = vector.broadcast %get3A_463 : vector<1x231xf32> to vector<10x231xf32>
    %add3A_465 = arith.addf %dot_general3A_460, %add3A_464 : vector<10x231xf32>
    %get3A_466 = arith.constant 0 : index
    %get3A_467 = arith.constant 0 : index
    %get3A_468 = vector.load %arg13[%get3A_466, %get3A_467] : memref<231x1xf32, #tpu.memory_space<vmem>>, vector<231x1xf32>
    %dot_general3A_469 = arith.constant dense<0.000000e+00> : vector<10x1xf32>
    %dot_general3A_470 = tpu.matmul %add3A_465, %get3A_468, %dot_general3A_469 {dimension_numbers = #tpu.dot_dimension_numbers<[1], [0], [0], [1], [0, 0, 1, 1], [], []>, transpose_lhs_hint = false} : vector<10x231xf32>, vector<231x1xf32>, vector<10x1xf32> -> vector<10x1xf32>
    %get3A_471 = arith.constant 0 : index
    %get3A_472 = arith.constant 0 : index
    %get3A_473 = vector.load %arg14[%get3A_471, %get3A_472] : memref<1x1xf32, #tpu.memory_space<vmem>>, vector<1x1xf32>
    %add3A_474 = vector.broadcast %get3A_473 : vector<1x1xf32> to vector<10x1xf32>
    %add3A_475 = arith.addf %dot_general3A_470, %add3A_474 : vector<10x1xf32>
    %logistic3A_476 = arith.negf %add3A_475 : vector<10x1xf32>
    %logistic3A_477 = math.exp %logistic3A_476 : vector<10x1xf32>
    %logistic3A_478 = arith.constant 1.000000e+00 : f32
    %logistic3A_479 = vector.broadcast %logistic3A_478 : f32 to vector<10x1xf32>
    %logistic3A_480 = arith.addf %logistic3A_479, %logistic3A_477 : vector<10x1xf32>
    %logistic3A_481 = arith.divf %logistic3A_479, %logistic3A_480 : vector<10x1xf32>
    %swap3A = arith.constant 0 : index
    %swap3A_482 = arith.constant 0 : index
    %swap3A_483 = vector.load %arg15[%swap3A, %swap3A_482] : memref<10x1xf32, #tpu.memory_space<vmem>>, vector<10x1xf32>
    tpu.vector_store %arg15[%swap3A, %swap3A_482], %logistic3A_481 {strides = array<i32>} : memref<10x1xf32, #tpu.memory_space<vmem>>, vector<10x1xf32>,
    %concatenate3A = tpu.concatenate %broadcast_in_dim3A_173, %broadcast_in_dim3A_201, %broadcast_in_dim3A_230, %broadcast_in_dim3A_259, %broadcast_in_dim3A_288, %broadcast_in_dim3A_317, %broadcast_in_dim3A_346, %broadcast_in_dim3A_375, %broadcast_in_dim3A_404, %broadcast_in_dim3A_433 in 1 : vector<10x1xi32>, vector<10x1xi32>, vector<10x1xi32>, vector<10x1xi32>, vector<10x1xi32>, vector<10x1xi32>, vector<10x1xi32>, vector<10x1xi32>, vector<10x1xi32>, vector<10x1xi32> -> vector<10x10xi32>
    %swap3A_484 = arith.constant 0 : index
    %swap3A_485 = arith.constant 0 : index
    %swap3A_486 = vector.load %arg16[%swap3A_484, %swap3A_485] : memref<10x10xi32, #tpu.memory_space<vmem>>, vector<10x10xi32>
    tpu.vector_store %arg16[%swap3A_484, %swap3A_485], %concatenate3A {strides = array<i32>} : memref<10x10xi32, #tpu.memory_space<vmem>>, vector<10x10xi32>,
    return
  }
}

</mosaic_0001>

<sc_bundles>
// kernel: kernel.5.cloned.1.call-start
scs
__scs_entry_jumppad:
0x0: {  	(pc) =	sbr.rel $0x88, $3  }
0x1: {  	(tag) =	ssettag $0x0;
	lr =	simm.s32 $0x1  }
0x2: {  	[smem:$0x3F91] =	sst lr;
	_ =	strace $0xD0000000  }
0x3: {  	_ = 	snop  }
0x4: {  	_ = 	snop  }
0x5: {  	_ = 	snop  }
0x6: {  	_ = 	snop  }
0x7: {  	_ = 	snop  }
__scs_overlays_trampoline_lowered:
0x8: {  	[smem:$0x3FA0] =	sst s0  }
0x9: {  	[smem:$0x3FA1] =	sst s1  }
0xa: {  	[smem:$0x3FA2] =	sst s2  }
0xb: {  	[smem:$0x3FA3] =	sst s3  }
0xc: {  	[smem:$0x3FA4] =	sst s4  }
0xd: {  	[smem:$0x3FA5] =	sst s5  }
0xe: {  	[smem:$0x3FA6] =	sst s6  }
0xf: {  	[smem:$0x3FA7] =	sst s7  }
0x10: {  	[smem:$0x3FA8] =	sst s8  }
0x11: {  	[smem:$0x3FA9] =	sst s9;
	s0 =	simm.s32 @!p0 $0x0  }
0x12: {  	s1 =	sld [smem:$0x3F8F];
	s0 =	simm.s32 @p0 $0x1  }
0x13: {  	[smem:$0x3FAA] =	sst s0;
	s0 =	simm.s32 @!p1 $0x0  }
0x14: {  	s2 =	sld [smem:$0x3F8E];
	s0 =	simm.s32 @p1 $0x1  }
0x15: {  	[smem:$0x3FAB] =	sst s0;
	s0 =	simm.s32 @!p2 $0x0  }
0x16: {  	s3 =	sld [smem:$0x3FDB];
	s0 =	simm.s32 @p2 $0x1  }
0x17: {  	s4 =	simm.s32 $0x1BF5;
	[smem:$0x3FAD] =	sst s0  }
0x18: {  	s0 =	sld [smem:$0x3F90];
	_ =	swait.ge [sflag:s4], $0x0  }
0x19: {  	s7 =	sld [smem:$0x3F91]  }
0x1a: {  	s8 =	sadd.s32 $0xFFFFE003, lr  }
0x1b: {  	s9 =	sadd.s32 $0xFFFFFEF7, lr;
	s5 =	simm.s32 $0xFFFFFFFF;
	p2 =	slt.u32 s8, $0xFFFFF086  }
0x1c: {  	p1 =	slt.u32 s9, $0xF7A;
	s5 =	simm.s32 @!p2 $0x0  }
0x1d: {  	s5 =	simm.s32 @p1 $0x1;
	p0 =	seq.s32 s7, s2  }
0x1e: {  	s7 =	smul.u32 @!p0 $0xF7A, s2;
	p2 =	seq.s32 @!p0 s5, $0x0  }
0x1f: {  	s9 =	smul.u32 $0xF7A, s1;
	s8 =	simm.s32 @!p0 $0x1BF5;
	p2 =	por !p2, p0  }
0x20: {  	[sflag:s8] =	ssyncset.s32 @!p0 $0xFFFFF086;
	s6 =	sadd.s32 @!p0 s3, s7;
	s7 =	simm.s32 @!p0 $0x108  }
0x21: {  	s3 =	sadd.s32 s3, s9;
	s6 =	sadd.s32 @!p0 $0x88, s6;
	s7 =	simm.s32 @p2 $0x1082  }
0x22: {  	[simem:s7], [sflag:s8] =	dma.local @!p0 [hbm:s6], $0xF7A  }
0x23: {  	s9 =	sor.u32 $0xD0000000, s2;
	s6 =	simm.s32 $0x108;
	_ =	swait.ge @!p0 [sflag:s8], $0x0  }
0x24: {  	s3 =	sadd.s32 $0x88, s3;
	s6 =	simm.s32 @!p1 $0x1082;
	[sflag:s4] =	ssyncset.s32 $0xFFFFF086  }
0x25: {  	[simem:s6], [sflag:s4] =	dma.local [hbm:s3], $0xF7A  }
0x26: {  	[smem:$0x3F91] =	sst s1;
	(tag) =	ssettag s2;
	_ =	strace s9  }
0x27: {  	s1 =	sld [smem:$0x3FA1]  }
0x28: {  	s2 =	sld [smem:$0x3FA2]  }
0x29: {  	s4 =	sld [smem:$0x3FA4]  }
0x2a: {  	p0 =	seq.s32 s5, $0x0;
	s5 =	sld [smem:$0x3FA5]  }
0x2b: {  	s6 =	sld [smem:$0x3FA6]  }
0x2c: {  	s7 =	sld [smem:$0x3FA7]  }
0x2d: {  	s3 =	simm.s32 $0x108;
	s8 =	sld [smem:$0x3FA8]  }
0x2e: {  	s3 =	simm.s32 @!p0 $0x1082;
	s9 =	sld [smem:$0x3FA9]  }
0x2f: {  	lr =	sadd.s32 s0, s3;
	s0 =	sld [smem:$0x3FA0]  }
0x30: {  	s3 =	sld [smem:$0x3FA3]  }
0x31: {  	[smem:$0x3FAC] =	sst s10  }
0x32: {  	s10 =	sld [smem:$0x3FAA];
	_ =	sdelay $0x3  }
0x33: {  	p0 =	seq.s32 s10, $0x1;
	s10 =	sld [smem:$0x3FAC];
	_ =	sdelay $0x3  }
0x34: {  	[smem:$0x3FAC] =	sst s10  }
0x35: {  	s10 =	sld [smem:$0x3FAB];
	_ =	sdelay $0x3  }
0x36: {  	p1 =	seq.s32 s10, $0x1;
	s10 =	sld [smem:$0x3FAC];
	_ =	sdelay $0x3  }
0x37: {  	[smem:$0x3FAC] =	sst s10  }
0x38: {  	s10 =	sld [smem:$0x3FAD]  }
0x39: {  	_ = 	snop;
	(pc) =	sbr.ind lr, $3  }
0x3a: {  	_ = 	snop  }
0x3b: {  	_ = 	snop  }
0x3c: {  	p2 =	seq.s32 s10, $0x1;
	s10 =	sld [smem:$0x3FAC]  }
0x3d: {  	_ =	shalt  }
0x3e: {  	_ =	shalt  }
0x3f: {  	_ =	shalt  }
0x40: {  	_ =	shalt  }
0x41: {  	_ =	shalt  }
0x42: {  	_ =	shalt  }
0x43: {  	_ =	shalt  }
0x44: {  	_ =	shalt  }
0x45: {  	_ =	shalt  }
0x46: {  	_ =	shalt  }
0x47: {  	_ =	shalt  }
0x48: {  	_ =	shalt  }
0x49: {  	_ =	shalt  }
0x4a: {  	_ =	shalt  }
0x4b: {  	_ =	shalt  }
0x4c: {  	_ =	shalt  }
0x4d: {  	_ =	shalt  }
0x4e: {  	_ =	shalt  }
0x4f: {  	_ =	shalt  }
0x50: {  	_ =	shalt  }
0x51: {  	_ =	shalt  }
0x52: {  	_ =	shalt  }
0x53: {  	_ =	shalt  }
0x54: {  	_ =	shalt  }
0x55: {  	_ =	shalt  }
0x56: {  	_ =	shalt  }
0x57: {  	_ =	shalt  }
0x58: {  	_ =	shalt  }
0x59: {  	_ =	shalt  }
0x5a: {  	_ =	shalt  }
0x5b: {  	_ =	shalt  }
0x5c: {  	_ =	shalt  }
0x5d: {  	_ =	shalt  }
0x5e: {  	_ =	shalt  }
0x5f: {  	_ =	shalt  }
0x60: {  	_ =	shalt  }
0x61: {  	_ =	shalt  }
0x62: {  	_ =	shalt  }
0x63: {  	_ =	shalt  }
0x64: {  	_ =	shalt  }
0x65: {  	_ =	shalt  }
0x66: {  	_ =	shalt  }
0x67: {  	_ =	shalt  }
0x68: {  	_ =	shalt  }
0x69: {  	_ =	shalt  }
0x6a: {  	_ =	shalt  }
0x6b: {  	_ =	shalt  }
0x6c: {  	_ =	shalt  }
0x6d: {  	_ =	shalt  }
0x6e: {  	_ =	shalt  }
0x6f: {  	_ =	shalt  }
0x70: {  	_ =	shalt  }
0x71: {  	_ =	shalt  }
0x72: {  	_ =	shalt  }
0x73: {  	_ =	shalt  }
0x74: {  	_ =	shalt  }
0x75: {  	_ =	shalt  }
0x76: {  	_ =	shalt  }
0x77: {  	_ =	shalt  }
0x78: {  	_ =	shalt  }
0x79: {  	_ =	shalt  }
0x7a: {  	_ =	shalt  }
0x7b: {  	_ =	shalt  }
0x7c: {  	_ =	shalt  }
0x7d: {  	_ =	shalt  }
0x7e: {  	_ =	shalt  }
0x7f: {  	_ =	shalt  }
0x80: {  	_ =	shalt  }
0x81: {  	_ =	shalt  }
0x82: {  	_ =	shalt  }
0x83: {  	_ =	shalt  }
0x84: {  	_ =	shalt  }
0x85: {  	_ =	shalt  }
0x86: {  	_ =	shalt  }
0x87: {  	_ =	shalt  }
.Lfunc_end0:
.L_simem_size_0:
called_computation_lowered:
.L_overlay_start_0:
0x88: {  	s2 =	sld [smem:$0x3FD9]  }
0x89: {  	s3 =	sld [smem:$0x3FFE];
	_ =	sdelay $0x1  }
0x8a: {  	s1 =	srdreg.scid  }
0x8b: {  	s0 =	sand.u32 $0x1, s1  }
0x8c: {  	s16 =	sshll.u32 s0, $0xA;
	s2 =	sadd.s32 s3, s2  }
0x8d: {  	s2 =	sadd.s32 s2, s16  }
0x8e: {  	[smem:$0x3FB8] =	sst s2  }
0x8f: {  	_ = 	snop  }
0x90: {  	(tm) =	ssettm $0x1  }
0x91: {  	s17 =	sld [smem:$0x3FFB];
	_ =	sdelay $0x3  }
0x92: {  	_ =	strace s17  }
0x93: {  	s2 =	sld [smem:$0x3FFC];
	_ =	sdelay $0x3  }
0x94: {  	_ =	strace s2  }
0x95: {  	s2 =	sld [smem:$0x3FFD];
	_ =	sdelay $0x3  }
0x96: {  	_ =	strace s2  }
0x97: {  	_ =	strace $0x8FFFFFFF  }
0x98: {  	s18 =	sld [smem:$0x3FDB];
	_ =	sdelay $0x1  }
0x99: {  	s19 =	simm.s32 $_scs_section_size  }
0x9a: {  	s4 =	simm.s32 $_size__tile_overlayer_lowered;
	s5 =	simm.s32 $_tile_overlayer_lowered  }
0x9b: {  	s22 =	simm.s32 $0x1BFF;
	s21 =	sshll.u32 s5, $0x1;
	s2 =	sadd.s32 s19, s18  }
0x9c: {  	s6 =	simm.s32 $0x0;
	s20 =	sshll.u32 s4, $0x1;
	s4 =	sadd.s32 s21, s2  }
0x9d: {  	[timem:s6], [sflag:s22] =	dma.local [hbm:s4], s20  }
0x9e: {  	_ =	swait.ge [sflag:s22], s20  }
0x9f: {  	s3 =	ssub.s32 $0x0, s20;
	[sflag:s22] =	ssyncset.done $0x0  }
0xa0: {  	[sflag:s22] =	ssyncadd.s32 s3;
	_ =	sdelay $0x1  }
0xa1: {  	s23 =	simm.s32 $0x1B8B  }
0xa2: {  	_ =	swait.ge [sflag:s23], $0x1  }
0xa3: {  	[sflag:s23] =	ssyncset.done $0x0  }
0xa4: {  	s25 =	simm.s32 $0x1B8E;
	s24 =	sld [smem:$0x3FFE];
	[sflag:s23] =	ssyncadd.s32 $0xFFFFFFFF  }
0xa5: {  	s26 =	simm.s32 $execute0_lowered;
	[smem:$0x3FD2] =	sst s25  }
0xa6: {  	s4 =	sshll.u32 s26, $0x1;
	_ =	strace $0x80000046;
	[dreg:$0x1] =	wrdreg $0xFFFFFFFF  }
0xa7: {  	s28 =	simm.s32 $_size_execute0_lowered;
	s2 =	sadd.s32 s2, s4;
	[dreg:$0x0] =	wrdreg $0x0  }
0xa8: {  	s4 =	sshll.u32 s28, $0x1;
	[dreg:$0x2] =	wrdreg s2  }
0xa9: {  	[dreg:$0x3] =	wrdreg s4  }
0xaa: {  	[dreg:$0x4] =	wrdreg $0xC0  }
0xab: {  	_ =	task [dreg:s6], $0x5FFFF  }
0xac: {  	[dreg:$0x1] =	wrdreg $0xFFFFFFFF  }
0xad: {  	[dreg:$0x0] =	wrdreg $0x60  }
0xae: {  	[dreg:$0x2] =	wrdreg s24  }
0xaf: {  	[dreg:$0x3] =	wrdreg $0x18000  }
0xb0: {  	[dreg:$0x4] =	wrdreg $0x9  }
0xb1: {  	_ =	task.clear_ibuf [dreg:s6], $0x5FFFF;
	_ =	strace $0x90000046  }
0xb2: {  	s29 =	simm.s32 $0x9;
	_ =	strace $0x80000048  }
0xb3: {  	_ =	swait.ge [sflag:s29], $0x1  }
0xb4: {  	[sflag:s29] =	ssyncadd.s32 $0xFFFFFFFF  }
0xb5: {  	_ =	strace $0x90000048  }
0xb6: {  	_ =	sfence  }
0xb7: {  	s30 =	sld [smem:$0x0];
	_ =	sdelay $0x2  }
0xb8: {  	s31 =	sshll.u32 s1, $0xD;
	s1 =	sshrl.u32 s1, $0x2  }
0xb9: {  	s3 =	sand.u32 $0x4000, s31;
	s1 =	sadd.s32 s1, s30  }
0xba: {  	s0 =	sor.u32 s3, s0;
	s1 =	sshll.u32 s1, $0x11  }
0xbb: {  	s0 =	sor.u32 s1, s0  }
0xbc: {  	s0 =	sadd.s32 $0x8F2B, s0  }
0xbd: {  	[sflag:s0] =	ssyncadd.remote.s32 $0x1  }
0xbe: {  	_ =	sfence.sel $0xFFFF  }
0xbf: {  	[dreg:$0x0] =	wrdreg $0xFFFFFFFF;
	(pc) =	sbr.abs _section_cstart, $3  }
0xc0: {  	[dreg:$0x1] =	wrdreg $0xFFFFFFFF  }
0xc1: {  	_ =	task.clear_ibuf [dreg:s6], $0x2FFFF;
	_ =	strace $0x9FFFFFFF  }
0xc2: {  	(tm) =	ssettm $0x7FFFFFFF  }
0xc3: {  	_ =	shalt  }
tec
execute0_lowered:
.L_overlay_start_1:
0x0: {  	(tag) =	ssettag $0x1  }
0x1: {  	s5 =	rddreg [dreg:$0x0]  }
0x2: {  	s2 =	rddreg [dreg:$0x1];
	s3 =	simm.s32 $0x0  }
0x3: {  	s9 =	simm.s32 $0x100;
	[smem:$0x7FF] =	sst s3  }
0x4: {  	s10 =	simm.s32 $0xD00;
	_ =	strace $0x80000047;
	[dreg:$0x9] =	wrdreg s9  }
0x5: {  	s11 =	simm.s32 $0x180;
	[dreg:$0xa] =	wrdreg s10  }
0x6: {  	s12 =	simm.s32 $0xD80;
	[dreg:$0xb] =	wrdreg s11  }
0x7: {  	s13 =	simm.s32 $0x200;
	[dreg:$0xc] =	wrdreg s12  }
0x8: {  	s14 =	simm.s32 $0xE00;
	[dreg:$0xd] =	wrdreg s13  }
0x9: {  	s15 =	simm.s32 $0x280;
	[dreg:$0xe] =	wrdreg s14  }
0xa: {  	s16 =	simm.s32 $0xE80;
	[dreg:$0xf] =	wrdreg s15  }
0xb: {  	s17 =	simm.s32 $0x300;
	[dreg:$0x10] =	wrdreg s16  }
0xc: {  	s18 =	simm.s32 $0xF00;
	[dreg:$0x11] =	wrdreg s17  }
0xd: {  	s19 =	simm.s32 $0x380;
	[dreg:$0x12] =	wrdreg s18  }
0xe: {  	s20 =	simm.s32 $0xF80;
	[dreg:$0x13] =	wrdreg s19  }
0xf: {  	s0 =	srdreg.scid;
	s22 =	simm.s32 $0x400;
	[dreg:$0x14] =	wrdreg s20  }
0x10: {  	s26 =	stileid.u32;
	s23 =	simm.s32 $0x1000;
	[dreg:$0x15] =	wrdreg s22  }
0x11: {  	s25 =	simm.s32 $0x480;
	s24 =	sshll.u32 s26, $0x6;
	[dreg:$0x16] =	wrdreg s23  }
0x12: {  	s21 =	sand.u32 $0x1, s0;
	s0 =	sor.u32 $0x1C01, s24;
	[dreg:$0x17] =	wrdreg s25  }
0x13: {  	s9 =	simm.s32 $0x1200;
	[dreg:$0x4] =	wrdreg s0  }
0x14: {  	s10 =	simm.s32 $0x680;
	[dreg:$0x1e] =	wrdreg s9  }
0x15: {  	s6 =	sshll.u32 s26, $0xD;
	s12 =	simm.s32 $0x1280;
	[dreg:$0x1f] =	wrdreg s10  }
0x16: {  	s6 =	sadd.s32 s6, s5;
	s14 =	simm.s32 $0x700;
	[smem:$0x7FC] =	sst s12  }
0x17: {  	s6 =	sadd.s32 $0x7A00, s6;
	[smem:$0x7FD] =	sst s14  }
0x18: {  	s0 =	simm.s32 $0x500;
	[dreg:$0x3] =	wrdreg s6  }
0x19: {  	s4 =	sshll.u32 s21, $0x4;
	[dreg:$0x19] =	wrdreg s0  }
0x1a: {  	s4 =	sor.u32 s26, s4;
	s6 =	simm.s32 $0x580;
	s13 =	rddreg [dreg:$0x4]  }
0x1b: {  	s4 =	smul.u32 $0x180, s4;
	[dreg:$0x1b] =	wrdreg s6  }
0x1c: {  	s11 =	rddreg [dreg:$0x3]  }
0x1d: {  	s7 =	sadd.s32 s4, s5;
	s4 =	sshll.u32 s26, $0x10;
	s26 =	simm.s32 $0x1080  }
0x1e: {  	s1 =	sadd.s32 $0x4A00, s7;
	[dreg:$0x18] =	wrdreg s26  }
0x1f: {  	s8 =	sshll.u32 s21, $0x14;
	s7 =	sadd.s32 $0x1A00, s7;
	[dreg:$0x5] =	wrdreg s1  }
0x20: {  	s8 =	sor.u32 s4, s8;
	[dreg:$0x6] =	wrdreg s7;
	s1 =	simm.s32 $0x1100  }
0x21: {  	s8 =	sshrl.u32 s8, $0x3;
	s7 =	simm.s32 $0x1180;
	[dreg:$0x1a] =	wrdreg s1  }
0x22: {  	s5 =	sadd.s32 s8, s5;
	s8 =	simm.s32 $0xC80;
	[dreg:$0x1c] =	wrdreg s7  }
0x23: {  	s5 =	sadd.s32 $0x27A00, s5;
	[dreg:$0x8] =	wrdreg s8  }
0x24: {  	s4 =	sadd.s32 s4, s2;
	s8 =	simm.s32 $0x600;
	[dreg:$0x7] =	wrdreg s5  }
0x25: {  	s4 =	sshrl.u32 s4, $0x3;
	[dreg:$0x1d] =	wrdreg s8  }
0x26: {  	[spmem:s4], [sflag:s13] =	dma.local [hbm:s11], $0x2000  }
0x27: {  	s5 =	rddreg [dreg:$0x5]  }
0x28: {  	[tilespmem:s3], [sflag:$0x2] =	stream.linear.gather [hbm4b:s5+s3], $0xC00, $0x38;
	[tilespmem:$0x11800] =	vst v63  }
0x29: {  	s6 =	simm.s32 $0xC00;
	s7 =	simm.s32 $0x2;
	s15 =	rddreg [dreg:$0x6]  }
0x2a: {  	[tilespmem:s6], [sflag:$0x2] =	stream.linear.gather [hbm4b:s15+s3], $0xC00, $0x38;
	[tilespmem:$0x11800] =	vst v63  }
0x2b: {  	_ =	swait.ge [sflag:s7], $0xC00  }
0x2c: {  	[sflag:s7] =	ssyncset.done $0x0  }
0x2d: {  	[sflag:s7] =	ssyncadd.s32 $0xFFFFF400  }
0x2e: {  	_ =	swait.ge [sflag:s7], $0xC00  }
0x2f: {  	[sflag:s7] =	ssyncset.done $0x0  }
0x30: {  	s9 =	simm.s32 $0x1;
	[sflag:s7] =	ssyncadd.s32 $0xFFFFF400  }
0x31: {  	_ =	swait.ge [sflag:s9], $0x2000  }
0x32: {  	[sflag:s9] =	ssyncset.done $0x0  }
0x33: {  	[sflag:s9] =	ssyncadd.s32 $0xFFFFE000  }
0x34: {  	s8 =	simm.s32 $0x80;
	s5 =	simm.s32 $0x3;
	[bflag:$0x0] =	sbarrier.arrive $0xFFFF  }
0x35: {  	[spmem:s2] =	stream.indirect.scatter.add.f32 [tilespmem:s6], [sflag:$0x3], $0x1, s3, s8, $0xb8;
	[tilespmem:$0x11800] =	vst v63  }
0x36: {  	_ =	swait.ge [sflag:s5], $0x80  }
0x37: {  	[sflag:s5] =	ssyncset.done $0x0  }
0x38: {  	s10 =	rddreg [dreg:$0x8];
	[sflag:s5] =	ssyncadd.s32 $0xFFFFFF80  }
0x39: {  	[spmem:s2] =	stream.indirect.scatter.add.f32 [tilespmem:s10], [sflag:$0x3], $0x1, s8, s8, $0xb8;
	[tilespmem:$0x11800] =	vst v63  }
0x3a: {  	_ =	swait.ge [sflag:s5], $0x80  }
0x3b: {  	s16 =	rddreg [dreg:$0x9];
	[sflag:s5] =	ssyncset.done $0x0  }
0x3c: {  	s11 =	rddreg [dreg:$0xa];
	[sflag:s5] =	ssyncadd.s32 $0xFFFFFF80  }
0x3d: {  	[spmem:s2] =	stream.indirect.scatter.add.f32 [tilespmem:s11], [sflag:$0x3], $0x1, s16, s8, $0xb8;
	[tilespmem:$0x11800] =	vst v63  }
0x3e: {  	_ =	swait.ge [sflag:s5], $0x80  }
0x3f: {  	s17 =	rddreg [dreg:$0xb];
	[sflag:s5] =	ssyncset.done $0x0  }
0x40: {  	s18 =	rddreg [dreg:$0xc];
	[sflag:s5] =	ssyncadd.s32 $0xFFFFFF80  }
0x41: {  	[spmem:s2] =	stream.indirect.scatter.add.f32 [tilespmem:s18], [sflag:$0x3], $0x1, s17, s8, $0xb8;
	[tilespmem:$0x11800] =	vst v63  }
0x42: {  	_ =	swait.ge [sflag:s5], $0x80  }
0x43: {  	s19 =	rddreg [dreg:$0xd];
	[sflag:s5] =	ssyncset.done $0x0  }
0x44: {  	s20 =	rddreg [dreg:$0xe];
	[sflag:s5] =	ssyncadd.s32 $0xFFFFFF80  }
0x45: {  	[spmem:s2] =	stream.indirect.scatter.add.f32 [tilespmem:s20], [sflag:$0x3], $0x1, s19, s8, $0xb8;
	[tilespmem:$0x11800] =	vst v63  }
0x46: {  	_ =	swait.ge [sflag:s5], $0x80  }
0x47: {  	s22 =	rddreg [dreg:$0xf];
	[sflag:s5] =	ssyncset.done $0x0  }
0x48: {  	s23 =	rddreg [dreg:$0x10];
	[sflag:s5] =	ssyncadd.s32 $0xFFFFFF80  }
0x49: {  	[spmem:s2] =	stream.indirect.scatter.add.f32 [tilespmem:s23], [sflag:$0x3], $0x1, s22, s8, $0xb8;
	[tilespmem:$0x11800] =	vst v63  }
0x4a: {  	_ =	swait.ge [sflag:s5], $0x80  }
0x4b: {  	s25 =	rddreg [dreg:$0x11];
	[sflag:s5] =	ssyncset.done $0x0  }
0x4c: {  	s26 =	rddreg [dreg:$0x12];
	[sflag:s5] =	ssyncadd.s32 $0xFFFFFF80  }
0x4d: {  	[spmem:s2] =	stream.indirect.scatter.add.f32 [tilespmem:s26], [sflag:$0x3], $0x1, s25, s8, $0xb8;
	[tilespmem:$0x11800] =	vst v63  }
0x4e: {  	_ =	swait.ge [sflag:s5], $0x80  }
0x4f: {  	s0 =	rddreg [dreg:$0x13];
	[sflag:s5] =	ssyncset.done $0x0  }
0x50: {  	s1 =	rddreg [dreg:$0x14];
	[sflag:s5] =	ssyncadd.s32 $0xFFFFFF80  }
0x51: {  	[spmem:s2] =	stream.indirect.scatter.add.f32 [tilespmem:s1], [sflag:$0x3], $0x1, s0, s8, $0xb8;
	[tilespmem:$0x11800] =	vst v63  }
0x52: {  	_ =	swait.ge [sflag:s5], $0x80  }
0x53: {  	s12 =	rddreg [dreg:$0x15];
	[sflag:s5] =	ssyncset.done $0x0  }
0x54: {  	s13 =	rddreg [dreg:$0x16];
	[sflag:s5] =	ssyncadd.s32 $0xFFFFFF80  }
0x55: {  	[spmem:s2] =	stream.indirect.scatter.add.f32 [tilespmem:s13], [sflag:$0x3], $0x1, s12, s8, $0xb8;
	[tilespmem:$0x11800] =	vst v63  }
0x56: {  	_ =	swait.ge [sflag:s5], $0x80  }
0x57: {  	s14 =	rddreg [dreg:$0x17];
	[sflag:s5] =	ssyncset.done $0x0  }
0x58: {  	s15 =	rddreg [dreg:$0x18];
	[sflag:s5] =	ssyncadd.s32 $0xFFFFFF80  }
0x59: {  	[spmem:s2] =	stream.indirect.scatter.add.f32 [tilespmem:s15], [sflag:$0x3], $0x1, s14, s8, $0xb8;
	[tilespmem:$0x11800] =	vst v63  }
0x5a: {  	_ =	swait.ge [sflag:s5], $0x80  }
0x5b: {  	s16 =	rddreg [dreg:$0x19];
	[sflag:s5] =	ssyncset.done $0x0  }
0x5c: {  	s17 =	rddreg [dreg:$0x1a];
	[sflag:s5] =	ssyncadd.s32 $0xFFFFFF80  }
0x5d: {  	[spmem:s2] =	stream.indirect.scatter.add.f32 [tilespmem:s17], [sflag:$0x3], $0x1, s16, s8, $0xb8;
	[tilespmem:$0x11800] =	vst v63  }
0x5e: {  	_ =	swait.ge [sflag:s5], $0x80  }
0x5f: {  	s18 =	rddreg [dreg:$0x1b];
	[sflag:s5] =	ssyncset.done $0x0  }
0x60: {  	s19 =	rddreg [dreg:$0x1c];
	[sflag:s5] =	ssyncadd.s32 $0xFFFFFF80  }
0x61: {  	[spmem:s2] =	stream.indirect.scatter.add.f32 [tilespmem:s19], [sflag:$0x3], $0x1, s18, s8, $0xb8;
	[tilespmem:$0x11800] =	vst v63  }
0x62: {  	_ =	swait.ge [sflag:s5], $0x80  }
0x63: {  	s20 =	rddreg [dreg:$0x1d];
	[sflag:s5] =	ssyncset.done $0x0  }
0x64: {  	s22 =	rddreg [dreg:$0x1e];
	[sflag:s5] =	ssyncadd.s32 $0xFFFFFF80  }
0x65: {  	[spmem:s2] =	stream.indirect.scatter.add.f32 [tilespmem:s22], [sflag:$0x3], $0x1, s20, s8, $0xb8;
	[tilespmem:$0x11800] =	vst v63  }
0x66: {  	_ =	swait.ge [sflag:s5], $0x80  }
0x67: {  	s25 =	sld [smem:$0x7FC]  }
0x68: {  	[sflag:s5] =	ssyncset.done $0x0  }
0x69: {  	s23 =	rddreg [dreg:$0x1f];
	[sflag:s5] =	ssyncadd.s32 $0xFFFFFF80  }
0x6a: {  	[spmem:s2] =	stream.indirect.scatter.add.f32 [tilespmem:s25], [sflag:$0x3], $0x1, s23, s8, $0xb8;
	[tilespmem:$0x11800] =	vst v63  }
0x6b: {  	_ =	swait.ge [sflag:s5], $0x80  }
0x6c: {  	s26 =	sld [smem:$0x7FD]  }
0x6d: {  	[sflag:s5] =	ssyncset.done $0x0  }
0x6e: {  	s10 =	simm.s32 $0x1300;
	[sflag:s5] =	ssyncadd.s32 $0xFFFFFF80  }
0x6f: {  	[spmem:s2] =	stream.indirect.scatter.add.f32 [tilespmem:s10], [sflag:$0x3], $0x1, s26, s8, $0xb8;
	[tilespmem:$0x11800] =	vst v63  }
0x70: {  	_ =	swait.ge [sflag:s5], $0x80  }
0x71: {  	[sflag:s5] =	ssyncset.done $0x0  }
0x72: {  	s11 =	simm.s32 $0x780;
	s12 =	simm.s32 $0x1380;
	[sflag:s5] =	ssyncadd.s32 $0xFFFFFF80  }
0x73: {  	[spmem:s2] =	stream.indirect.scatter.add.f32 [tilespmem:s12], [sflag:$0x3], $0x1, s11, s8, $0xb8;
	[tilespmem:$0x11800] =	vst v63  }
0x74: {  	_ =	swait.ge [sflag:s5], $0x80  }
0x75: {  	[sflag:s5] =	ssyncset.done $0x0  }
0x76: {  	s13 =	simm.s32 $0x800;
	s14 =	simm.s32 $0x1400;
	[sflag:s5] =	ssyncadd.s32 $0xFFFFFF80  }
0x77: {  	[spmem:s2] =	stream.indirect.scatter.add.f32 [tilespmem:s14], [sflag:$0x3], $0x1, s13, s8, $0xb8;
	[tilespmem:$0x11800] =	vst v63  }
0x78: {  	_ =	swait.ge [sflag:s5], $0x80  }
0x79: {  	[sflag:s5] =	ssyncset.done $0x0  }
0x7a: {  	s15 =	simm.s32 $0x880;
	s16 =	simm.s32 $0x1480;
	[sflag:s5] =	ssyncadd.s32 $0xFFFFFF80  }
0x7b: {  	[spmem:s2] =	stream.indirect.scatter.add.f32 [tilespmem:s16], [sflag:$0x3], $0x1, s15, s8, $0xb8;
	[tilespmem:$0x11800] =	vst v63  }
0x7c: {  	_ =	swait.ge [sflag:s5], $0x80  }
0x7d: {  	[sflag:s5] =	ssyncset.done $0x0  }
0x7e: {  	s17 =	simm.s32 $0x900;
	s18 =	simm.s32 $0x1500;
	[sflag:s5] =	ssyncadd.s32 $0xFFFFFF80  }
0x7f: {  	[spmem:s2] =	stream.indirect.scatter.add.f32 [tilespmem:s18], [sflag:$0x3], $0x1, s17, s8, $0xb8;
	[tilespmem:$0x11800] =	vst v63  }
0x80: {  	_ =	swait.ge [sflag:s5], $0x80  }
0x81: {  	[sflag:s5] =	ssyncset.done $0x0  }
0x82: {  	s19 =	simm.s32 $0x980;
	s20 =	simm.s32 $0x1580;
	[sflag:s5] =	ssyncadd.s32 $0xFFFFFF80  }
0x83: {  	[spmem:s2] =	stream.indirect.scatter.add.f32 [tilespmem:s20], [sflag:$0x3], $0x1, s19, s8, $0xb8;
	[tilespmem:$0x11800] =	vst v63  }
0x84: {  	_ =	swait.ge [sflag:s5], $0x80  }
0x85: {  	s22 =	simm.s32 $0x1600;
	[sflag:s5] =	ssyncset.done $0x0  }
0x86: {  	s23 =	ssub.s32 $0x2, s21;
	s21 =	simm.s32 $0xA00;
	[sflag:s5] =	ssyncadd.s32 $0xFFFFFF80  }
0x87: {  	[spmem:s2] =	stream.indirect.scatter.add.f32 [tilespmem:s22], [sflag:$0x3], $0x1, s21, s8, $0xb8;
	[tilespmem:$0x11800] =	vst v63  }
0x88: {  	s25 =	sshrl.u32 s23, $0x1;
	_ =	swait.ge [sflag:s5], $0x80  }
0x89: {  	s26 =	ssub.s32 s23, s25;
	s23 =	simm.s32 $0xA80;
	[sflag:s5] =	ssyncset.done $0x0  }
0x8a: {  	s25 =	simm.s32 $0x1680;
	s29 =	smax.u32 s26, $0x1;
	[sflag:s5] =	ssyncadd.s32 $0xFFFFFF80  }
0x8b: {  	[spmem:s2] =	stream.indirect.scatter.add.f32 [tilespmem:s25], [sflag:$0x3], $0x1, s23, s8, $0xb8;
	[tilespmem:$0x11800] =	vst v63  }
0x8c: {  	p0 =	sne.s32 s29, $0x1;
	_ =	swait.ge [sflag:s5], $0x80  }
.Ltmp0:
0x8d: {  	[sflag:s5] =	ssyncset.done $0x0;
	(pc) =	sbr.rel @!p0 .LBB2_2-.Ltmp0, $4  }
0x8e: {  	s28 =	simm.s32 $0x1700;
	s26 =	simm.s32 $0xB00;
	[sflag:s5] =	ssyncadd.s32 $0xFFFFFF80  }
0x8f: {  	[spmem:s2] =	stream.indirect.scatter.add.f32 [tilespmem:s28], [sflag:$0x3], $0x1, s26, s8, $0xb8;
	[tilespmem:$0x11800] =	vst v63  }
0x90: {  	s30 =	simm.s32 $0x1780;
	s24 =	sor.u32 $0x1C03, s24;
	_ =	swait.ge [sflag:s5], $0x80  }
0x91: {  	s31 =	sadd.s32 $0xFFFFFFFF, s29;
	s29 =	simm.s32 $0xB80;
	[sflag:s5] =	ssyncset.done $0x0  }
.LBB2_1:
0x92: {  	[sflag:s5] =	ssyncadd.s32 $0xFFFFFF80  }
0x93: {  	[spmem:s2] =	stream.indirect.scatter.add.f32 [tilespmem:s30], [sflag:$0x3], $0x1, s29, s8, $0xb8;
	[tilespmem:$0x11800] =	vst v63  }
0x94: {  	_ =	swait.ge [sflag:s5], $0x80  }
0x95: {  	[sflag:s5] =	ssyncset.done $0x0  }
0x96: {  	[sflag:s5] =	ssyncadd.s32 $0xFFFFFF80  }
0x97: {  	[bflag:$0x0] =	sbarrier.arrive $0xFFFF  }
0x98: {  	s0 =	rddreg [dreg:$0x7]  }
0x99: {  	[hbm:s0], [sflag:s24] =	dma.local [spmem:s4], $0x2000  }
0x9a: {  	_ =	swait.ge [sflag:s5], $0x2000  }
0x9b: {  	s0 =	rddreg [dreg:$0x3];
	[sflag:s5] =	ssyncset.done $0x0  }
0x9c: {  	s1 =	rddreg [dreg:$0x4];
	[sflag:s5] =	ssyncadd.s32 $0xFFFFE000  }
0x9d: {  	[spmem:s4], [sflag:s1] =	dma.local [hbm:s0], $0x2000  }
0x9e: {  	s0 =	rddreg [dreg:$0x5]  }
0x9f: {  	[tilespmem:s3], [sflag:$0x2] =	stream.linear.gather [hbm4b:s0+s3], $0xC00, $0x38;
	[tilespmem:$0x11800] =	vst v63  }
0xa0: {  	s1 =	rddreg [dreg:$0x6]  }
0xa1: {  	[tilespmem:s6], [sflag:$0x2] =	stream.linear.gather [hbm4b:s1+s3], $0xC00, $0x38;
	[tilespmem:$0x11800] =	vst v63  }
0xa2: {  	_ =	swait.ge [sflag:s7], $0xC00  }
0xa3: {  	[sflag:s7] =	ssyncset.done $0x0  }
0xa4: {  	[sflag:s7] =	ssyncadd.s32 $0xFFFFF400  }
0xa5: {  	_ =	swait.ge [sflag:s7], $0xC00  }
0xa6: {  	[sflag:s7] =	ssyncset.done $0x0  }
0xa7: {  	[sflag:s7] =	ssyncadd.s32 $0xFFFFF400  }
0xa8: {  	_ =	swait.ge [sflag:s9], $0x2000  }
0xa9: {  	[sflag:s9] =	ssyncset.done $0x0  }
0xaa: {  	[sflag:s9] =	ssyncadd.s32 $0xFFFFE000  }
0xab: {  	[bflag:$0x0] =	sbarrier.arrive $0xFFFF  }
0xac: {  	[spmem:s2] =	stream.indirect.scatter.add.f32 [tilespmem:s6], [sflag:$0x3], $0x1, s3, s8, $0xb8;
	[tilespmem:$0x11800] =	vst v63  }
0xad: {  	_ =	swait.ge [sflag:s5], $0x80  }
0xae: {  	[sflag:s5] =	ssyncset.done $0x0  }
0xaf: {  	s1 =	rddreg [dreg:$0x8];
	[sflag:s5] =	ssyncadd.s32 $0xFFFFFF80  }
0xb0: {  	[spmem:s2] =	stream.indirect.scatter.add.f32 [tilespmem:s1], [sflag:$0x3], $0x1, s8, s8, $0xb8;
	[tilespmem:$0x11800] =	vst v63  }
0xb1: {  	_ =	swait.ge [sflag:s5], $0x80  }
0xb2: {  	s0 =	rddreg [dreg:$0x9];
	[sflag:s5] =	ssyncset.done $0x0  }
0xb3: {  	s1 =	rddreg [dreg:$0xa];
	[sflag:s5] =	ssyncadd.s32 $0xFFFFFF80  }
0xb4: {  	[spmem:s2] =	stream.indirect.scatter.add.f32 [tilespmem:s1], [sflag:$0x3], $0x1, s0, s8, $0xb8;
	[tilespmem:$0x11800] =	vst v63  }
0xb5: {  	_ =	swait.ge [sflag:s5], $0x80  }
0xb6: {  	[sflag:s5] =	ssyncset.done $0x0;
	s0 =	rddreg [dreg:$0xb]  }
0xb7: {  	s1 =	rddreg [dreg:$0xc];
	[sflag:s5] =	ssyncadd.s32 $0xFFFFFF80  }
0xb8: {  	[spmem:s2] =	stream.indirect.scatter.add.f32 [tilespmem:s1], [sflag:$0x3], $0x1, s0, s8, $0xb8;
	[tilespmem:$0x11800] =	vst v63  }
0xb9: {  	_ =	swait.ge [sflag:s5], $0x80  }
0xba: {  	[sflag:s5] =	ssyncset.done $0x0;
	s0 =	rddreg [dreg:$0xd]  }
0xbb: {  	s1 =	rddreg [dreg:$0xe];
	[sflag:s5] =	ssyncadd.s32 $0xFFFFFF80  }
0xbc: {  	[spmem:s2] =	stream.indirect.scatter.add.f32 [tilespmem:s1], [sflag:$0x3], $0x1, s0, s8, $0xb8;
	[tilespmem:$0x11800] =	vst v63  }
0xbd: {  	_ =	swait.ge [sflag:s5], $0x80  }
0xbe: {  	[sflag:s5] =	ssyncset.done $0x0;
	s0 =	rddreg [dreg:$0xf]  }
0xbf: {  	s1 =	rddreg [dreg:$0x10];
	[sflag:s5] =	ssyncadd.s32 $0xFFFFFF80  }
0xc0: {  	[spmem:s2] =	stream.indirect.scatter.add.f32 [tilespmem:s1], [sflag:$0x3], $0x1, s0, s8, $0xb8;
	[tilespmem:$0x11800] =	vst v63  }
0xc1: {  	_ =	swait.ge [sflag:s5], $0x80  }
0xc2: {  	[sflag:s5] =	ssyncset.done $0x0;
	s0 =	rddreg [dreg:$0x11]  }
0xc3: {  	s1 =	rddreg [dreg:$0x12];
	[sflag:s5] =	ssyncadd.s32 $0xFFFFFF80  }
0xc4: {  	[spmem:s2] =	stream.indirect.scatter.add.f32 [tilespmem:s1], [sflag:$0x3], $0x1, s0, s8, $0xb8;
	[tilespmem:$0x11800] =	vst v63  }
0xc5: {  	_ =	swait.ge [sflag:s5], $0x80  }
0xc6: {  	[sflag:s5] =	ssyncset.done $0x0;
	s0 =	rddreg [dreg:$0x13]  }
0xc7: {  	s1 =	rddreg [dreg:$0x14];
	[sflag:s5] =	ssyncadd.s32 $0xFFFFFF80  }
0xc8: {  	[spmem:s2] =	stream.indirect.scatter.add.f32 [tilespmem:s1], [sflag:$0x3], $0x1, s0, s8, $0xb8;
	[tilespmem:$0x11800] =	vst v63  }
0xc9: {  	_ =	swait.ge [sflag:s5], $0x80  }
0xca: {  	[sflag:s5] =	ssyncset.done $0x0;
	s0 =	rddreg [dreg:$0x15]  }
0xcb: {  	s1 =	rddreg [dreg:$0x16];
	[sflag:s5] =	ssyncadd.s32 $0xFFFFFF80  }
0xcc: {  	[spmem:s2] =	stream.indirect.scatter.add.f32 [tilespmem:s1], [sflag:$0x3], $0x1, s0, s8, $0xb8;
	[tilespmem:$0x11800] =	vst v63  }
0xcd: {  	_ =	swait.ge [sflag:s5], $0x80  }
0xce: {  	[sflag:s5] =	ssyncset.done $0x0;
	s0 =	rddreg [dreg:$0x17]  }
0xcf: {  	s1 =	rddreg [dreg:$0x18];
	[sflag:s5] =	ssyncadd.s32 $0xFFFFFF80  }
0xd0: {  	[spmem:s2] =	stream.indirect.scatter.add.f32 [tilespmem:s1], [sflag:$0x3], $0x1, s0, s8, $0xb8;
	[tilespmem:$0x11800] =	vst v63  }
0xd1: {  	_ =	swait.ge [sflag:s5], $0x80  }
0xd2: {  	[sflag:s5] =	ssyncset.done $0x0;
	s0 =	rddreg [dreg:$0x19]  }
0xd3: {  	s1 =	rddreg [dreg:$0x1a];
	[sflag:s5] =	ssyncadd.s32 $0xFFFFFF80  }
0xd4: {  	[spmem:s2] =	stream.indirect.scatter.add.f32 [tilespmem:s1], [sflag:$0x3], $0x1, s0, s8, $0xb8;
	[tilespmem:$0x11800] =	vst v63  }
0xd5: {  	_ =	swait.ge [sflag:s5], $0x80  }
0xd6: {  	[sflag:s5] =	ssyncset.done $0x0;
	s0 =	rddreg [dreg:$0x1b]  }
0xd7: {  	s1 =	rddreg [dreg:$0x1c];
	[sflag:s5] =	ssyncadd.s32 $0xFFFFFF80  }
0xd8: {  	[spmem:s2] =	stream.indirect.scatter.add.f32 [tilespmem:s1], [sflag:$0x3], $0x1, s0, s8, $0xb8;
	[tilespmem:$0x11800] =	vst v63  }
0xd9: {  	_ =	swait.ge [sflag:s5], $0x80  }
0xda: {  	[sflag:s5] =	ssyncset.done $0x0;
	s0 =	rddreg [dreg:$0x1d]  }
0xdb: {  	s1 =	rddreg [dreg:$0x1e];
	[sflag:s5] =	ssyncadd.s32 $0xFFFFFF80  }
0xdc: {  	[spmem:s2] =	stream.indirect.scatter.add.f32 [tilespmem:s1], [sflag:$0x3], $0x1, s0, s8, $0xb8;
	[tilespmem:$0x11800] =	vst v63  }
0xdd: {  	_ =	swait.ge [sflag:s5], $0x80  }
0xde: {  	s1 =	sld [smem:$0x7FC]  }
0xdf: {  	[sflag:s5] =	ssyncset.done $0x0  }
0xe0: {  	s0 =	rddreg [dreg:$0x1f];
	[sflag:s5] =	ssyncadd.s32 $0xFFFFFF80  }
0xe1: {  	[spmem:s2] =	stream.indirect.scatter.add.f32 [tilespmem:s1], [sflag:$0x3], $0x1, s0, s8, $0xb8;
	[tilespmem:$0x11800] =	vst v63  }
0xe2: {  	_ =	swait.ge [sflag:s5], $0x80  }
0xe3: {  	s1 =	sld [smem:$0x7FD]  }
0xe4: {  	[sflag:s5] =	ssyncset.done $0x0  }
0xe5: {  	[sflag:s5] =	ssyncadd.s32 $0xFFFFFF80  }
0xe6: {  	[spmem:s2] =	stream.indirect.scatter.add.f32 [tilespmem:s10], [sflag:$0x3], $0x1, s1, s8, $0xb8;
	[tilespmem:$0x11800] =	vst v63  }
0xe7: {  	_ =	swait.ge [sflag:s5], $0x80  }
0xe8: {  	[sflag:s5] =	ssyncset.done $0x0  }
0xe9: {  	[sflag:s5] =	ssyncadd.s32 $0xFFFFFF80  }
0xea: {  	[spmem:s2] =	stream.indirect.scatter.add.f32 [tilespmem:s12], [sflag:$0x3], $0x1, s11, s8, $0xb8;
	[tilespmem:$0x11800] =	vst v63  }
0xeb: {  	_ =	swait.ge [sflag:s5], $0x80  }
0xec: {  	[sflag:s5] =	ssyncset.done $0x0  }
0xed: {  	[sflag:s5] =	ssyncadd.s32 $0xFFFFFF80  }
0xee: {  	[spmem:s2] =	stream.indirect.scatter.add.f32 [tilespmem:s14], [sflag:$0x3], $0x1, s13, s8, $0xb8;
	[tilespmem:$0x11800] =	vst v63  }
0xef: {  	_ =	swait.ge [sflag:s5], $0x80  }
0xf0: {  	[sflag:s5] =	ssyncset.done $0x0  }
0xf1: {  	[sflag:s5] =	ssyncadd.s32 $0xFFFFFF80  }
0xf2: {  	[spmem:s2] =	stream.indirect.scatter.add.f32 [tilespmem:s16], [sflag:$0x3], $0x1, s15, s8, $0xb8;
	[tilespmem:$0x11800] =	vst v63  }
0xf3: {  	_ =	swait.ge [sflag:s5], $0x80  }
0xf4: {  	[sflag:s5] =	ssyncset.done $0x0  }
0xf5: {  	[sflag:s5] =	ssyncadd.s32 $0xFFFFFF80  }
0xf6: {  	[spmem:s2] =	stream.indirect.scatter.add.f32 [tilespmem:s18], [sflag:$0x3], $0x1, s17, s8, $0xb8;
	[tilespmem:$0x11800] =	vst v63  }
0xf7: {  	_ =	swait.ge [sflag:s5], $0x80  }
0xf8: {  	[sflag:s5] =	ssyncset.done $0x0  }
0xf9: {  	[sflag:s5] =	ssyncadd.s32 $0xFFFFFF80  }
0xfa: {  	[spmem:s2] =	stream.indirect.scatter.add.f32 [tilespmem:s20], [sflag:$0x3], $0x1, s19, s8, $0xb8;
	[tilespmem:$0x11800] =	vst v63  }
0xfb: {  	_ =	swait.ge [sflag:s5], $0x80  }
0xfc: {  	[sflag:s5] =	ssyncset.done $0x0  }
0xfd: {  	[sflag:s5] =	ssyncadd.s32 $0xFFFFFF80  }
0xfe: {  	[spmem:s2] =	stream.indirect.scatter.add.f32 [tilespmem:s22], [sflag:$0x3], $0x1, s21, s8, $0xb8;
	[tilespmem:$0x11800] =	vst v63  }
0xff: {  	_ =	swait.ge [sflag:s5], $0x80  }
0x100: {  	[sflag:s5] =	ssyncset.done $0x0  }
0x101: {  	[sflag:s5] =	ssyncadd.s32 $0xFFFFFF80  }
0x102: {  	[spmem:s2] =	stream.indirect.scatter.add.f32 [tilespmem:s25], [sflag:$0x3], $0x1, s23, s8, $0xb8;
	[tilespmem:$0x11800] =	vst v63  }
0x103: {  	p0 =	sne.s32 s31, $0x1;
	_ =	swait.ge [sflag:s5], $0x80  }
.Ltmp1:
0x104: {  	[sflag:s5] =	ssyncset.done $0x0;
	(pc) =	sbr.rel @p0 .LBB2_1-.Ltmp1, $4  }
0x105: {  	[sflag:s5] =	ssyncadd.s32 $0xFFFFFF80  }
0x106: {  	[spmem:s2] =	stream.indirect.scatter.add.f32 [tilespmem:s28], [sflag:$0x3], $0x1, s26, s8, $0xb8;
	[tilespmem:$0x11800] =	vst v63  }
0x107: {  	_ =	swait.ge [sflag:s5], $0x80  }
0x108: {  	s31 =	sadd.s32 $0xFFFFFFFF, s31;
	[sflag:s5] =	ssyncset.done $0x0  }
.LBB2_2:
0x109: {  	[sflag:s5] =	ssyncadd.s32 $0xFFFFFF80  }
0x10a: {  	[spmem:s2] =	stream.indirect.scatter.add.f32 [tilespmem:s30], [sflag:$0x3], $0x1, s29, s8, $0xb8;
	[tilespmem:$0x11800] =	vst v63  }
0x10b: {  	_ =	swait.ge [sflag:s5], $0x80  }
0x10c: {  	[sflag:s5] =	ssyncset.done $0x0  }
0x10d: {  	[sflag:s5] =	ssyncadd.s32 $0xFFFFFF80  }
0x10e: {  	[bflag:$0x0] =	sbarrier.arrive $0xFFFF  }
0x10f: {  	s0 =	rddreg [dreg:$0x7]  }
0x110: {  	[hbm:s0], [sflag:s24] =	dma.local [spmem:s4], $0x2000  }
0x111: {  	_ =	swait.ge [sflag:s5], $0x2000  }
0x112: {  	[sflag:s5] =	ssyncset.done $0x0  }
0x113: {  	[sflag:s5] =	ssyncadd.s32 $0xFFFFE000  }
0x114: {  	_ =	sfence.sel $0x180000  }
0x115: {  	[bflag:$0x0] =	sbarrier.arrive $0xFFFF  }
0x116: {  	_ =	strace $0x90000047  }
0x117: {  	s31 =	stileid.u32;
	[bflag:$0x2] =	sbarrier.arrive $0xFFFF  }
0x118: {  	p0 =	sne.s32 s31, $0x0;
	s0 =	rddreg [dreg:$0x2]  }
0x119: {  	s0 =	sadd.s32 @!p0 $0x100000, s0  }
0x11a: {  	[sflag:s0] =	ssyncadd.tile.s32 @!p0 $0x1;
	_ =	shalt  }
.Lfunc_end2:
_tile_overlayer_lowered:
.L_overlay_start_2:
0x11b: {  	(tag) =	ssettag $0x2  }
0x11c: {  	s0 =	rddreg [dreg:$0x0];
	s2 =	stileid.u32  }
0x11d: {  	s1 =	rddreg [dreg:$0x1];
	p0 =	sne.s32 s2, $0x0  }
0x11e: {  	s3 =	rddreg [dreg:$0x2];
	[bflag:$0x3] =	sbarrier.arrive $0xFFFF;
	s2 =	simm.s32 @!p0 $0x1C03  }
0x11f: {  	[timem:s3], [sflag:s2] =	dma.local @!p0 [hbm:s0], s1  }
0x120: {  	s0 =	simm.s32 @!p0 $0x3  }
0x121: {  	_ =	swait.ge @!p0 [sflag:s0], s1  }
0x122: {  	s1 =	ssub.s32 @!p0 $0x0, s1;
	[sflag:s0] =	ssyncset.done @!p0 $0x0  }
0x123: {  	[sflag:s0] =	ssyncadd.s32 @!p0 s1  }
0x124: {  	[bflag:$0x3] =	sbarrier.arrive $0xFFFF  }
0x125: {  	_ =	shalt  }

</sc_bundles>
